<compile_context>
chip_gen: v7x
topology: tpu7x:2x2x1
jax: 0.10.2.dev20260603
libtpu: 0.0.44.dev20260713+nightly
codegen_flags: <defaults>
</compile_context>

<pallas_src>
import jax
import jax.numpy as jnp
from jax import lax
from jax.experimental import pallas as pl
from jax.experimental.pallas import tpu as pltpu
from jax.experimental.pallas import tpu_sc as plsc

_N_E = 1024
_BETA = 0.25
_BLOCK = 2048
_NCHUNKS = 4

_NC = 2
_NS = 16
_NW = _NC * _NS
_CHUNK = 128


def _vq_t0_body(zt_ref, cb2_ref, e2_ref, z2_ref, zqp_ref,
                idx_ref, acc_ref, zqt_ref):
    zqt_ref[...] = jnp.transpose(zqp_ref[...][:, :64], (1, 0))
    _vq_body(zt_ref, cb2_ref, e2_ref, z2_ref, idx_ref, acc_ref)


def _vq_t_body(zt_ref, cb2_ref, e2_ref, z2_ref, zqp_ref, _zqt_in_ref,
               idx_ref, acc_ref, zqt_ref):
    zqt_ref[...] = jnp.transpose(zqp_ref[...][:, :64], (1, 0))
    _vq_body(zt_ref, cb2_ref, e2_ref, z2_ref, idx_ref, acc_ref)


def _vq_body(zt_ref, cb2_ref, e2_ref, z2_ref, idx_ref, acc_ref):
    i = pl.program_id(0)
    zt = zt_ref[...]
    cb2 = cb2_ref[...]
    e2 = e2_ref[...]
    z2 = z2_ref[...]
    mm2 = lax.dot_general(cb2, zt, (((1,), (0,)), ((), ())),
                          preferred_element_type=jnp.float32)
    dist = (z2 + e2) - mm2
    mind = jnp.min(dist, axis=0, keepdims=True)
    row = lax.broadcasted_iota(jnp.int32, dist.shape, 0)
    idx = jnp.min(jnp.where(dist == mind, row, _N_E), axis=0)
    idx_ref[...] = idx.reshape(idx_ref.shape)

    @pl.when(i == 0)
    def _init():
        acc_ref[...] = jnp.zeros_like(acc_ref)

    acc_ref[...] += jnp.sum(mind).reshape(1, 1)


def _transpose_body(zqp_ref, _zqt_in_ref, zqt_ref):
    zqt_ref[...] = jnp.transpose(zqp_ref[...][:, :64], (1, 0))


def _gather_body(cbp_hbm, idx_hbm, out_hbm, idx_v, rows_v, sem):
    wid = lax.axis_index("s") * _NC + lax.axis_index("c")
    nch = idx_hbm.shape[0] // _NW
    bpw = nch * _CHUNK
    pltpu.sync_copy(idx_hbm.at[pl.ds(wid * nch, nch)], idx_v)
    copies = [pltpu.async_copy(cbp_hbm.at[idx_v.at[j]],
                               rows_v.at[pl.ds(j * _CHUNK, _CHUNK)], sem)
              for j in range(nch)]
    for c in copies:
        c.wait()
    pltpu.sync_copy(rows_v, out_hbm.at[pl.ds(wid * bpw, bpw)])


@jax.jit
def kernel(z, codebook):
    n, d = z.shape
    n_e = codebook.shape[0]
    nrow = _BLOCK // _CHUNK
    nb = n // _BLOCK
    nbc = nb // _NCHUNKS
    nc = n // _NCHUNKS
    nch = nc // _NW // _CHUNK

    cb2 = codebook + codebook
    e2 = jnp.sum(codebook ** 2, axis=1).reshape(n_e, 1)
    z2 = jnp.sum(z ** 2, axis=1).reshape(1, n)
    zt = z.T
    cbp = jnp.concatenate(
        [codebook, jnp.zeros((n_e, 128 - d), jnp.float32)], axis=1)
    mesh = plsc.VectorSubcoreMesh(core_axis_name="c", subcore_axis_name="s")

    gather = pl.kernel(
        _gather_body,
        mesh=mesh,
        out_type=jax.ShapeDtypeStruct((nc, 128), jnp.float32),
        scratch_types=[
            pltpu.VMEM((nch, _CHUNK), jnp.int32),
            pltpu.VMEM((nch * _CHUNK, 128), jnp.float32),
            pltpu.SemaphoreType.DMA,
        ],
    )

    tb = 2048
    zqt = None
    zqps, idxs, accs = [], [], []
    cb2_spec = pl.BlockSpec((n_e, d), lambda i: (0, 0))
    e2_spec = pl.BlockSpec((n_e, 1), lambda i: (0, 0))
    vq_out_specs = [
        pl.BlockSpec((nrow, _CHUNK), lambda i: (i, 0)),
        pl.BlockSpec((1, 1), lambda i: (0, 0)),
    ]
    vq_out_shape = [
        jax.ShapeDtypeStruct((nc // _CHUNK, _CHUNK), jnp.int32),
        jax.ShapeDtypeStruct((1, 1), jnp.float32),
    ]
    for c in range(_NCHUNKS):
        base = c * nbc
        in_specs = [
            pl.BlockSpec((d, _BLOCK), lambda i, b=base: (0, b + i)),
            cb2_spec,
            e2_spec,
            pl.BlockSpec((1, _BLOCK), lambda i, b=base: (0, b + i)),
        ]
        if c < 2:
            idx2d, acc = pl.pallas_call(
                _vq_body,
                grid=(nbc,),
                in_specs=in_specs,
                out_specs=vq_out_specs,
                out_shape=vq_out_shape,
            )(zt, cb2, e2, z2)
        else:
            tcol = (c - 2) * (nc // tb)
            tspec = pl.BlockSpec((tb, 128), lambda i: (i, 0))
            ospec = pl.BlockSpec((d, tb), lambda i, b=tcol: (0, b + i))
            oshape = jax.ShapeDtypeStruct((d, n), jnp.float32)
            if zqt is None:
                idx2d, acc, zqt = pl.pallas_call(
                    _vq_t0_body,
                    grid=(nbc,),
                    in_specs=in_specs + [tspec],
                    out_specs=vq_out_specs + [ospec],
                    out_shape=vq_out_shape + [oshape],
                )(zt, cb2, e2, z2, zqps[c - 2])
            else:
                idx2d, acc, zqt = pl.pallas_call(
                    _vq_t_body,
                    grid=(nbc,),
                    in_specs=in_specs + [
                        tspec, pl.BlockSpec(memory_space=pltpu.MemorySpace.HBM)],
                    out_specs=vq_out_specs + [ospec],
                    out_shape=vq_out_shape + [oshape],
                    input_output_aliases={5: 2},
                )(zt, cb2, e2, z2, zqps[c - 2], zqt)
        accs.append(acc[0, 0])
        idxs.append(idx2d)
        zqps.append(gather(cbp, idx2d))

    for c in range(_NCHUNKS - 2, _NCHUNKS):
        col_base = c * (nc // tb)
        zqt = pl.pallas_call(
            _transpose_body,
            grid=(nc // tb,),
            in_specs=[
                pl.BlockSpec((tb, 128), lambda i: (i, 0)),
                pl.BlockSpec(memory_space=pltpu.MemorySpace.HBM),
            ],
            out_specs=pl.BlockSpec((d, tb), lambda i, b=col_base: (0, b + i)),
            out_shape=jax.ShapeDtypeStruct((d, n), jnp.float32),
            input_output_aliases={1: 0},
        )(zqps[c], zqt)

    zq = zqt.T
    indices = jnp.concatenate(idxs, axis=0).reshape(n)
    total = accs[0]
    for a in accs[1:]:
        total = total + a
    mean_sq = total / (n * d)
    loss = mean_sq + _BETA * mean_sq
    return (zq, loss, indices)

# --- scband reference (transcript-rebuilt; emitter-appended) ---
"""Pipeline reference for scband-simple-vector-quantizer-56899726737754 (READ-ONLY COPY).

The authoritative reference and input builder live on the scoring server;
editing this copy changes nothing except your own understanding.
"""

import jax, jax.numpy as jnp
import numpy as np

N_E = 1024
E_DIM = 64
BETA = 0.25

def setup_inputs(seed: int = 0) -> dict:
    key = jax.random.key(seed)
    k1, k2 = jax.random.split(key)
    z = jax.random.normal(k1, (32768, E_DIM), dtype=jnp.float32)
    # codebook init: uniform(-1/n_e, 1/n_e), matching nn.Embedding init in the module
    codebook = jax.random.uniform(k2, (N_E, E_DIM), dtype=jnp.float32,
                                  minval=-1.0 / N_E, maxval=1.0 / N_E)
    return {"z": z, "codebook": codebook}

def reference(z, codebook):
    # distances: ||z||^2 + ||e||^2 - 2 z e^T  -> [N, n_e]
    distances = (jnp.sum(z ** 2, axis=1, keepdims=True)
                 + jnp.sum(codebook ** 2, axis=1)
                 - 2.0 * jnp.matmul(z, codebook.T))
    indices = jnp.argmin(distances, axis=-1)
    z_q = jnp.take(codebook, indices, axis=0)
    commitment_loss = jnp.mean((jax.lax.stop_gradient(z_q) - z) ** 2)
    codebook_loss = jnp.mean((z_q - jax.lax.stop_gradient(z)) ** 2)
    loss = codebook_loss + BETA * commitment_loss
    z_q = z + jax.lax.stop_gradient(z_q - z)
    return (z_q, loss, indices)

if __name__ == "__main__":
    import jax
    _d = setup_inputs()
    print(jax.jit(kernel)(*tuple(_d.values())))

</pallas_src>

<mosaic_0001>
#map = affine_map<(d0, d1) -> (0, 0)>
module attributes {stable_mosaic.version = 14 : i64} {
  func.func @_gather_body(%arg0: i32, %arg1: i32, %arg2: memref<1024x128xf32, #tpu.memory_space<hbm>>, %arg3: memref<64x128xi32, #tpu.memory_space<hbm>>, %arg4: memref<8192x128xf32, #tpu.memory_space<hbm>>, %arg5: memref<2x128xi32, #tpu.memory_space<vmem>>, %arg6: memref<256x128xf32, #tpu.memory_space<vmem>>, %arg7: memref<!tpu.dma_semaphore, #tpu.memory_space<semaphore_mem>>) attributes {dimension_semantics = [#tpu.dimension_semantics<core_parallel>, #tpu.dimension_semantics<subcore_parallel>], iteration_bounds = array<i64: 2, 16>, scalar_prefetch = 0 : i64, scratch_operands = 3 : i64, tpu.core_type = #tpu.core_type<sc_vector_subcore>, window_params = [{transform_indices = #map}, {transform_indices = #map}, {transform_indices = #map}]} {
    %mul3A = arith.constant 2 : i32
    %mul3A_0 = arith.muli %arg1, %mul3A : i32
    %add3A = arith.addi %mul3A_0, %arg0 : i32
    %mul3A_1 = arith.constant 2 : i32
    %mul3A_2 = arith.muli %add3A, %mul3A_1 : i32
    "tpu.region"() ({
      %run_scoped3A = tpu.sem_alloc : memref<!tpu.dma_semaphore, #tpu.memory_space<semaphore_mem>>
      %dma_start3A_43 = arith.constant 0 : i32
      %dma_start3A_44 = tpu.memref_slice %arg3[%mul3A_2, %dma_start3A_43] : memref<64x128xi32, #tpu.memory_space<hbm>> -> memref<2x128xi32, #tpu.memory_space<hbm>>
      %dma_start3A_45 = arith.constant 0 : i32
      %dma_start3A_46 = tpu.memref_slice %arg3[%mul3A_2, %dma_start3A_45] : memref<64x128xi32, #tpu.memory_space<hbm>> -> memref<2x128xi32, #tpu.memory_space<hbm>>
      tpu.enqueue_dma source(%dma_start3A_46 : memref<2x128xi32, #tpu.memory_space<hbm>>) target(%arg5 : memref<2x128xi32, #tpu.memory_space<vmem>>) target_semaphore(%run_scoped3A : memref<!tpu.dma_semaphore, #tpu.memory_space<semaphore_mem>>)
      %dma_wait3A_47 = arith.constant 0 : i32
      %dma_wait3A_48 = tpu.memref_slice %arg3[%mul3A_2, %dma_wait3A_47] : memref<64x128xi32, #tpu.memory_space<hbm>> -> memref<2x128xi32, #tpu.memory_space<hbm>>
      %dma_wait3A_49 = arith.constant 0 : i32
      %dma_wait3A_50 = tpu.memref_slice %arg3[%mul3A_2, %dma_wait3A_49] : memref<64x128xi32, #tpu.memory_space<hbm>> -> memref<2x128xi32, #tpu.memory_space<hbm>>
      tpu.wait_dma2 semaphore(%run_scoped3A : memref<!tpu.dma_semaphore, #tpu.memory_space<semaphore_mem>>) src(%dma_wait3A_50 : memref<2x128xi32, #tpu.memory_space<hbm>>) dst(%arg5 : memref<2x128xi32, #tpu.memory_space<vmem>>)
      tpu.yield
    }) : () -> ()
    %dma_start3A = arith.constant 0 : i32
    %dma_start3A_3 = arith.constant 0 : i32
    %dma_start3A_4 = arith.constant 0 : i32
    %dma_start3A_5 = tpu.memref_slice %arg6[%dma_start3A_3, %dma_start3A_4] : memref<256x128xf32, #tpu.memory_space<vmem>> -> memref<128x128xf32, #tpu.memory_space<vmem>>
    %dma_start3A_6 = arith.constant 0 : i32
    %dma_start3A_7 = tpu.memref_slice %arg5[%dma_start3A, %dma_start3A_6] : memref<2x128xi32, #tpu.memory_space<vmem>> -> memref<1x128xi32, #tpu.memory_space<vmem>>
    %dma_start3A_8 = tpu.memref_squeeze %dma_start3A_7 : memref<1x128xi32, #tpu.memory_space<vmem>> -> memref<128xi32, #tpu.memory_space<vmem>>
    %dma_start3A_9 = arith.constant 0 : i32
    %dma_start3A_10 = arith.constant 0 : i32
    %dma_start3A_11 = tpu.memref_slice %arg2[%dma_start3A_9, %dma_start3A_10] : memref<1024x128xf32, #tpu.memory_space<hbm>> -> memref<1024x128xf32, #tpu.memory_space<hbm>>
    tpu.enqueue_indirect_dma source(%dma_start3A_11 : memref<1024x128xf32, #tpu.memory_space<hbm>>) target(%dma_start3A_5 : memref<128x128xf32, #tpu.memory_space<vmem>>) offsets(%dma_start3A_8 : memref<128xi32, #tpu.memory_space<vmem>>) semaphore(%arg7 : memref<!tpu.dma_semaphore, #tpu.memory_space<semaphore_mem>>)
    %dma_start3A_12 = arith.constant 1 : i32
    %dma_start3A_13 = arith.constant 128 : i32
    %dma_start3A_14 = arith.constant 0 : i32
    %dma_start3A_15 = tpu.memref_slice %arg6[%dma_start3A_13, %dma_start3A_14] : memref<256x128xf32, #tpu.memory_space<vmem>> -> memref<128x128xf32, #tpu.memory_space<vmem>>
    %dma_start3A_16 = arith.constant 0 : i32
    %dma_start3A_17 = tpu.memref_slice %arg5[%dma_start3A_12, %dma_start3A_16] : memref<2x128xi32, #tpu.memory_space<vmem>> -> memref<1x128xi32, #tpu.memory_space<vmem>>
    %dma_start3A_18 = tpu.memref_squeeze %dma_start3A_17 : memref<1x128xi32, #tpu.memory_space<vmem>> -> memref<128xi32, #tpu.memory_space<vmem>>
    %dma_start3A_19 = arith.constant 0 : i32
    %dma_start3A_20 = arith.constant 0 : i32
    %dma_start3A_21 = tpu.memref_slice %arg2[%dma_start3A_19, %dma_start3A_20] : memref<1024x128xf32, #tpu.memory_space<hbm>> -> memref<1024x128xf32, #tpu.memory_space<hbm>>
    tpu.enqueue_indirect_dma source(%dma_start3A_21 : memref<1024x128xf32, #tpu.memory_space<hbm>>) target(%dma_start3A_15 : memref<128x128xf32, #tpu.memory_space<vmem>>) offsets(%dma_start3A_18 : memref<128xi32, #tpu.memory_space<vmem>>) semaphore(%arg7 : memref<!tpu.dma_semaphore, #tpu.memory_space<semaphore_mem>>)
    %dma_wait3A = arith.constant 0 : i32
    %dma_wait3A_22 = arith.constant 0 : i32
    %dma_wait3A_23 = arith.constant 0 : i32
    %dma_wait3A_24 = tpu.memref_slice %arg6[%dma_wait3A_22, %dma_wait3A_23] : memref<256x128xf32, #tpu.memory_space<vmem>> -> memref<128x128xf32, #tpu.memory_space<vmem>>
    %dma_wait3A_25 = arith.constant 0 : i32
    %dma_wait3A_26 = tpu.memref_slice %arg5[%dma_wait3A, %dma_wait3A_25] : memref<2x128xi32, #tpu.memory_space<vmem>> -> memref<1x128xi32, #tpu.memory_space<vmem>>
    %dma_wait3A_27 = tpu.memref_squeeze %dma_wait3A_26 : memref<1x128xi32, #tpu.memory_space<vmem>> -> memref<128xi32, #tpu.memory_space<vmem>>
    %dma_wait3A_28 = arith.constant 0 : i32
    %dma_wait3A_29 = arith.constant 0 : i32
    %dma_wait3A_30 = tpu.memref_slice %arg2[%dma_wait3A_28, %dma_wait3A_29] : memref<1024x128xf32, #tpu.memory_space<hbm>> -> memref<1024x128xf32, #tpu.memory_space<hbm>>
    tpu.wait_indirect_dma semaphore(%arg7 : memref<!tpu.dma_semaphore, #tpu.memory_space<semaphore_mem>>) src(%dma_wait3A_30 : memref<1024x128xf32, #tpu.memory_space<hbm>>) dst(%dma_wait3A_24 : memref<128x128xf32, #tpu.memory_space<vmem>>)
    %dma_wait3A_31 = arith.constant 1 : i32
    %dma_wait3A_32 = arith.constant 128 : i32
    %dma_wait3A_33 = arith.constant 0 : i32
    %dma_wait3A_34 = tpu.memref_slice %arg6[%dma_wait3A_32, %dma_wait3A_33] : memref<256x128xf32, #tpu.memory_space<vmem>> -> memref<128x128xf32, #tpu.memory_space<vmem>>
    %dma_wait3A_35 = arith.constant 0 : i32
    %dma_wait3A_36 = tpu.memref_slice %arg5[%dma_wait3A_31, %dma_wait3A_35] : memref<2x128xi32, #tpu.memory_space<vmem>> -> memref<1x128xi32, #tpu.memory_space<vmem>>
    %dma_wait3A_37 = tpu.memref_squeeze %dma_wait3A_36 : memref<1x128xi32, #tpu.memory_space<vmem>> -> memref<128xi32, #tpu.memory_space<vmem>>
    %dma_wait3A_38 = arith.constant 0 : i32
    %dma_wait3A_39 = arith.constant 0 : i32
    %dma_wait3A_40 = tpu.memref_slice %arg2[%dma_wait3A_38, %dma_wait3A_39] : memref<1024x128xf32, #tpu.memory_space<hbm>> -> memref<1024x128xf32, #tpu.memory_space<hbm>>
    tpu.wait_indirect_dma semaphore(%arg7 : memref<!tpu.dma_semaphore, #tpu.memory_space<semaphore_mem>>) src(%dma_wait3A_40 : memref<1024x128xf32, #tpu.memory_space<hbm>>) dst(%dma_wait3A_34 : memref<128x128xf32, #tpu.memory_space<vmem>>)
    %mul3A_41 = arith.constant 256 : i32
    %mul3A_42 = arith.muli %add3A, %mul3A_41 : i32
    "tpu.region"() ({
      %run_scoped3A = tpu.sem_alloc : memref<!tpu.dma_semaphore, #tpu.memory_space<semaphore_mem>>
      %dma_start3A_43 = arith.constant 0 : i32
      %dma_start3A_44 = tpu.memref_slice %arg4[%mul3A_42, %dma_start3A_43] : memref<8192x128xf32, #tpu.memory_space<hbm>> -> memref<256x128xf32, #tpu.memory_space<hbm>>
      %dma_start3A_45 = arith.constant 0 : i32
      %dma_start3A_46 = tpu.memref_slice %arg4[%mul3A_42, %dma_start3A_45] : memref<8192x128xf32, #tpu.memory_space<hbm>> -> memref<256x128xf32, #tpu.memory_space<hbm>>
      tpu.enqueue_dma source(%arg6 : memref<256x128xf32, #tpu.memory_space<vmem>>) target(%dma_start3A_46 : memref<256x128xf32, #tpu.memory_space<hbm>>) target_semaphore(%run_scoped3A : memref<!tpu.dma_semaphore, #tpu.memory_space<semaphore_mem>>)
      %dma_wait3A_47 = arith.constant 0 : i32
      %dma_wait3A_48 = tpu.memref_slice %arg4[%mul3A_42, %dma_wait3A_47] : memref<8192x128xf32, #tpu.memory_space<hbm>> -> memref<256x128xf32, #tpu.memory_space<hbm>>
      %dma_wait3A_49 = arith.constant 0 : i32
      %dma_wait3A_50 = tpu.memref_slice %arg4[%mul3A_42, %dma_wait3A_49] : memref<8192x128xf32, #tpu.memory_space<hbm>> -> memref<256x128xf32, #tpu.memory_space<hbm>>
      tpu.wait_dma2 semaphore(%run_scoped3A : memref<!tpu.dma_semaphore, #tpu.memory_space<semaphore_mem>>) src(%arg6 : memref<256x128xf32, #tpu.memory_space<vmem>>) dst(%dma_wait3A_50 : memref<256x128xf32, #tpu.memory_space<hbm>>)
      tpu.yield
    }) : () -> ()
    return
  }
}

#map = affine_map<(d0, d1) -> (0, 0)>
module attributes {stable_mosaic.version = 14 : i64} {
  func.func @_gather_body(%arg0: i32, %arg1: i32, %arg2: memref<1024x128xf32, #tpu.memory_space<hbm>>, %arg3: memref<64x128xi32, #tpu.memory_space<hbm>>, %arg4: memref<8192x128xf32, #tpu.memory_space<hbm>>, %arg5: memref<2x128xi32, #tpu.memory_space<vmem>>, %arg6: memref<256x128xf32, #tpu.memory_space<vmem>>, %arg7: memref<!tpu.dma_semaphore, #tpu.memory_space<semaphore_mem>>) attributes {dimension_semantics = [#tpu.dimension_semantics<core_parallel>, #tpu.dimension_semantics<subcore_parallel>], iteration_bounds = array<i64: 2, 16>, scalar_prefetch = 0 : i64, scratch_operands = 3 : i64, tpu.core_type = #tpu.core_type<sc_vector_subcore>, window_params = [{transform_indices = #map}, {transform_indices = #map}, {transform_indices = #map}]} {
    %mul3A = arith.constant 2 : i32
    %mul3A_0 = arith.muli %arg1, %mul3A : i32
    %add3A = arith.addi %mul3A_0, %arg0 : i32
    %mul3A_1 = arith.constant 2 : i32
    %mul3A_2 = arith.muli %add3A, %mul3A_1 : i32
    "tpu.region"() ({
      %run_scoped3A = tpu.sem_alloc : memref<!tpu.dma_semaphore, #tpu.memory_space<semaphore_mem>>
      %dma_start3A_43 = arith.constant 0 : i32
      %dma_start3A_44 = tpu.memref_slice %arg3[%mul3A_2, %dma_start3A_43] : memref<64x128xi32, #tpu.memory_space<hbm>> -> memref<2x128xi32, #tpu.memory_space<hbm>>
      %dma_start3A_45 = arith.constant 0 : i32
      %dma_start3A_46 = tpu.memref_slice %arg3[%mul3A_2, %dma_start3A_45] : memref<64x128xi32, #tpu.memory_space<hbm>> -> memref<2x128xi32, #tpu.memory_space<hbm>>
      tpu.enqueue_dma source(%dma_start3A_46 : memref<2x128xi32, #tpu.memory_space<hbm>>) target(%arg5 : memref<2x128xi32, #tpu.memory_space<vmem>>) target_semaphore(%run_scoped3A : memref<!tpu.dma_semaphore, #tpu.memory_space<semaphore_mem>>)
      %dma_wait3A_47 = arith.constant 0 : i32
      %dma_wait3A_48 = tpu.memref_slice %arg3[%mul3A_2, %dma_wait3A_47] : memref<64x128xi32, #tpu.memory_space<hbm>> -> memref<2x128xi32, #tpu.memory_space<hbm>>
      %dma_wait3A_49 = arith.constant 0 : i32
      %dma_wait3A_50 = tpu.memref_slice %arg3[%mul3A_2, %dma_wait3A_49] : memref<64x128xi32, #tpu.memory_space<hbm>> -> memref<2x128xi32, #tpu.memory_space<hbm>>
      tpu.wait_dma2 semaphore(%run_scoped3A : memref<!tpu.dma_semaphore, #tpu.memory_space<semaphore_mem>>) src(%dma_wait3A_50 : memref<2x128xi32, #tpu.memory_space<hbm>>) dst(%arg5 : memref<2x128xi32, #tpu.memory_space<vmem>>)
      tpu.yield
    }) : () -> ()
    %dma_start3A = arith.constant 0 : i32
    %dma_start3A_3 = arith.constant 0 : i32
    %dma_start3A_4 = arith.constant 0 : i32
    %dma_start3A_5 = tpu.memref_slice %arg6[%dma_start3A_3, %dma_start3A_4] : memref<256x128xf32, #tpu.memory_space<vmem>> -> memref<128x128xf32, #tpu.memory_space<vmem>>
    %dma_start3A_6 = arith.constant 0 : i32
    %dma_start3A_7 = tpu.memref_slice %arg5[%dma_start3A, %dma_start3A_6] : memref<2x128xi32, #tpu.memory_space<vmem>> -> memref<1x128xi32, #tpu.memory_space<vmem>>
    %dma_start3A_8 = tpu.memref_squeeze %dma_start3A_7 : memref<1x128xi32, #tpu.memory_space<vmem>> -> memref<128xi32, #tpu.memory_space<vmem>>
    %dma_start3A_9 = arith.constant 0 : i32
    %dma_start3A_10 = arith.constant 0 : i32
    %dma_start3A_11 = tpu.memref_slice %arg2[%dma_start3A_9, %dma_start3A_10] : memref<1024x128xf32, #tpu.memory_space<hbm>> -> memref<1024x128xf32, #tpu.memory_space<hbm>>
    tpu.enqueue_indirect_dma source(%dma_start3A_11 : memref<1024x128xf32, #tpu.memory_space<hbm>>) target(%dma_start3A_5 : memref<128x128xf32, #tpu.memory_space<vmem>>) offsets(%dma_start3A_8 : memref<128xi32, #tpu.memory_space<vmem>>) semaphore(%arg7 : memref<!tpu.dma_semaphore, #tpu.memory_space<semaphore_mem>>)
    %dma_start3A_12 = arith.constant 1 : i32
    %dma_start3A_13 = arith.constant 128 : i32
    %dma_start3A_14 = arith.constant 0 : i32
    %dma_start3A_15 = tpu.memref_slice %arg6[%dma_start3A_13, %dma_start3A_14] : memref<256x128xf32, #tpu.memory_space<vmem>> -> memref<128x128xf32, #tpu.memory_space<vmem>>
    %dma_start3A_16 = arith.constant 0 : i32
    %dma_start3A_17 = tpu.memref_slice %arg5[%dma_start3A_12, %dma_start3A_16] : memref<2x128xi32, #tpu.memory_space<vmem>> -> memref<1x128xi32, #tpu.memory_space<vmem>>
    %dma_start3A_18 = tpu.memref_squeeze %dma_start3A_17 : memref<1x128xi32, #tpu.memory_space<vmem>> -> memref<128xi32, #tpu.memory_space<vmem>>
    %dma_start3A_19 = arith.constant 0 : i32
    %dma_start3A_20 = arith.constant 0 : i32
    %dma_start3A_21 = tpu.memref_slice %arg2[%dma_start3A_19, %dma_start3A_20] : memref<1024x128xf32, #tpu.memory_space<hbm>> -> memref<1024x128xf32, #tpu.memory_space<hbm>>
    tpu.enqueue_indirect_dma source(%dma_start3A_21 : memref<1024x128xf32, #tpu.memory_space<hbm>>) target(%dma_start3A_15 : memref<128x128xf32, #tpu.memory_space<vmem>>) offsets(%dma_start3A_18 : memref<128xi32, #tpu.memory_space<vmem>>) semaphore(%arg7 : memref<!tpu.dma_semaphore, #tpu.memory_space<semaphore_mem>>)
    %dma_wait3A = arith.constant 0 : i32
    %dma_wait3A_22 = arith.constant 0 : i32
    %dma_wait3A_23 = arith.constant 0 : i32
    %dma_wait3A_24 = tpu.memref_slice %arg6[%dma_wait3A_22, %dma_wait3A_23] : memref<256x128xf32, #tpu.memory_space<vmem>> -> memref<128x128xf32, #tpu.memory_space<vmem>>
    %dma_wait3A_25 = arith.constant 0 : i32
    %dma_wait3A_26 = tpu.memref_slice %arg5[%dma_wait3A, %dma_wait3A_25] : memref<2x128xi32, #tpu.memory_space<vmem>> -> memref<1x128xi32, #tpu.memory_space<vmem>>
    %dma_wait3A_27 = tpu.memref_squeeze %dma_wait3A_26 : memref<1x128xi32, #tpu.memory_space<vmem>> -> memref<128xi32, #tpu.memory_space<vmem>>
    %dma_wait3A_28 = arith.constant 0 : i32
    %dma_wait3A_29 = arith.constant 0 : i32
    %dma_wait3A_30 = tpu.memref_slice %arg2[%dma_wait3A_28, %dma_wait3A_29] : memref<1024x128xf32, #tpu.memory_space<hbm>> -> memref<1024x128xf32, #tpu.memory_space<hbm>>
    tpu.wait_indirect_dma semaphore(%arg7 : memref<!tpu.dma_semaphore, #tpu.memory_space<semaphore_mem>>) src(%dma_wait3A_30 : memref<1024x128xf32, #tpu.memory_space<hbm>>) dst(%dma_wait3A_24 : memref<128x128xf32, #tpu.memory_space<vmem>>)
    %dma_wait3A_31 = arith.constant 1 : i32
    %dma_wait3A_32 = arith.constant 128 : i32
    %dma_wait3A_33 = arith.constant 0 : i32
    %dma_wait3A_34 = tpu.memref_slice %arg6[%dma_wait3A_32, %dma_wait3A_33] : memref<256x128xf32, #tpu.memory_space<vmem>> -> memref<128x128xf32, #tpu.memory_space<vmem>>
    %dma_wait3A_35 = arith.constant 0 : i32
    %dma_wait3A_36 = tpu.memref_slice %arg5[%dma_wait3A_31, %dma_wait3A_35] : memref<2x128xi32, #tpu.memory_space<vmem>> -> memref<1x128xi32, #tpu.memory_space<vmem>>
    %dma_wait3A_37 = tpu.memref_squeeze %dma_wait3A_36 : memref<1x128xi32, #tpu.memory_space<vmem>> -> memref<128xi32, #tpu.memory_space<vmem>>
    %dma_wait3A_38 = arith.constant 0 : i32
    %dma_wait3A_39 = arith.constant 0 : i32
    %dma_wait3A_40 = tpu.memref_slice %arg2[%dma_wait3A_38, %dma_wait3A_39] : memref<1024x128xf32, #tpu.memory_space<hbm>> -> memref<1024x128xf32, #tpu.memory_space<hbm>>
    tpu.wait_indirect_dma semaphore(%arg7 : memref<!tpu.dma_semaphore, #tpu.memory_space<semaphore_mem>>) src(%dma_wait3A_40 : memref<1024x128xf32, #tpu.memory_space<hbm>>) dst(%dma_wait3A_34 : memref<128x128xf32, #tpu.memory_space<vmem>>)
    %mul3A_41 = arith.constant 256 : i32
    %mul3A_42 = arith.muli %add3A, %mul3A_41 : i32
    "tpu.region"() ({
      %run_scoped3A = tpu.sem_alloc : memref<!tpu.dma_semaphore, #tpu.memory_space<semaphore_mem>>
      %dma_start3A_43 = arith.constant 0 : i32
      %dma_start3A_44 = tpu.memref_slice %arg4[%mul3A_42, %dma_start3A_43] : memref<8192x128xf32, #tpu.memory_space<hbm>> -> memref<256x128xf32, #tpu.memory_space<hbm>>
      %dma_start3A_45 = arith.constant 0 : i32
      %dma_start3A_46 = tpu.memref_slice %arg4[%mul3A_42, %dma_start3A_45] : memref<8192x128xf32, #tpu.memory_space<hbm>> -> memref<256x128xf32, #tpu.memory_space<hbm>>
      tpu.enqueue_dma source(%arg6 : memref<256x128xf32, #tpu.memory_space<vmem>>) target(%dma_start3A_46 : memref<256x128xf32, #tpu.memory_space<hbm>>) target_semaphore(%run_scoped3A : memref<!tpu.dma_semaphore, #tpu.memory_space<semaphore_mem>>)
      %dma_wait3A_47 = arith.constant 0 : i32
      %dma_wait3A_48 = tpu.memref_slice %arg4[%mul3A_42, %dma_wait3A_47] : memref<8192x128xf32, #tpu.memory_space<hbm>> -> memref<256x128xf32, #tpu.memory_space<hbm>>
      %dma_wait3A_49 = arith.constant 0 : i32
      %dma_wait3A_50 = tpu.memref_slice %arg4[%mul3A_42, %dma_wait3A_49] : memref<8192x128xf32, #tpu.memory_space<hbm>> -> memref<256x128xf32, #tpu.memory_space<hbm>>
      tpu.wait_dma2 semaphore(%run_scoped3A : memref<!tpu.dma_semaphore, #tpu.memory_space<semaphore_mem>>) src(%arg6 : memref<256x128xf32, #tpu.memory_space<vmem>>) dst(%dma_wait3A_50 : memref<256x128xf32, #tpu.memory_space<hbm>>)
      tpu.yield
    }) : () -> ()
    return
  }
}

#map = affine_map<(d0, d1) -> (0, 0)>
module attributes {stable_mosaic.version = 14 : i64} {
  func.func @_gather_body(%arg0: i32, %arg1: i32, %arg2: memref<1024x128xf32, #tpu.memory_space<hbm>>, %arg3: memref<64x128xi32, #tpu.memory_space<hbm>>, %arg4: memref<8192x128xf32, #tpu.memory_space<hbm>>, %arg5: memref<2x128xi32, #tpu.memory_space<vmem>>, %arg6: memref<256x128xf32, #tpu.memory_space<vmem>>, %arg7: memref<!tpu.dma_semaphore, #tpu.memory_space<semaphore_mem>>) attributes {dimension_semantics = [#tpu.dimension_semantics<core_parallel>, #tpu.dimension_semantics<subcore_parallel>], iteration_bounds = array<i64: 2, 16>, scalar_prefetch = 0 : i64, scratch_operands = 3 : i64, tpu.core_type = #tpu.core_type<sc_vector_subcore>, window_params = [{transform_indices = #map}, {transform_indices = #map}, {transform_indices = #map}]} {
    %mul3A = arith.constant 2 : i32
    %mul3A_0 = arith.muli %arg1, %mul3A : i32
    %add3A = arith.addi %mul3A_0, %arg0 : i32
    %mul3A_1 = arith.constant 2 : i32
    %mul3A_2 = arith.muli %add3A, %mul3A_1 : i32
    "tpu.region"() ({
      %run_scoped3A = tpu.sem_alloc : memref<!tpu.dma_semaphore, #tpu.memory_space<semaphore_mem>>
      %dma_start3A_43 = arith.constant 0 : i32
      %dma_start3A_44 = tpu.memref_slice %arg3[%mul3A_2, %dma_start3A_43] : memref<64x128xi32, #tpu.memory_space<hbm>> -> memref<2x128xi32, #tpu.memory_space<hbm>>
      %dma_start3A_45 = arith.constant 0 : i32
      %dma_start3A_46 = tpu.memref_slice %arg3[%mul3A_2, %dma_start3A_45] : memref<64x128xi32, #tpu.memory_space<hbm>> -> memref<2x128xi32, #tpu.memory_space<hbm>>
      tpu.enqueue_dma source(%dma_start3A_46 : memref<2x128xi32, #tpu.memory_space<hbm>>) target(%arg5 : memref<2x128xi32, #tpu.memory_space<vmem>>) target_semaphore(%run_scoped3A : memref<!tpu.dma_semaphore, #tpu.memory_space<semaphore_mem>>)
      %dma_wait3A_47 = arith.constant 0 : i32
      %dma_wait3A_48 = tpu.memref_slice %arg3[%mul3A_2, %dma_wait3A_47] : memref<64x128xi32, #tpu.memory_space<hbm>> -> memref<2x128xi32, #tpu.memory_space<hbm>>
      %dma_wait3A_49 = arith.constant 0 : i32
      %dma_wait3A_50 = tpu.memref_slice %arg3[%mul3A_2, %dma_wait3A_49] : memref<64x128xi32, #tpu.memory_space<hbm>> -> memref<2x128xi32, #tpu.memory_space<hbm>>
      tpu.wait_dma2 semaphore(%run_scoped3A : memref<!tpu.dma_semaphore, #tpu.memory_space<semaphore_mem>>) src(%dma_wait3A_50 : memref<2x128xi32, #tpu.memory_space<hbm>>) dst(%arg5 : memref<2x128xi32, #tpu.memory_space<vmem>>)
      tpu.yield
    }) : () -> ()
    %dma_start3A = arith.constant 0 : i32
    %dma_start3A_3 = arith.constant 0 : i32
    %dma_start3A_4 = arith.constant 0 : i32
    %dma_start3A_5 = tpu.memref_slice %arg6[%dma_start3A_3, %dma_start3A_4] : memref<256x128xf32, #tpu.memory_space<vmem>> -> memref<128x128xf32, #tpu.memory_space<vmem>>
    %dma_start3A_6 = arith.constant 0 : i32
    %dma_start3A_7 = tpu.memref_slice %arg5[%dma_start3A, %dma_start3A_6] : memref<2x128xi32, #tpu.memory_space<vmem>> -> memref<1x128xi32, #tpu.memory_space<vmem>>
    %dma_start3A_8 = tpu.memref_squeeze %dma_start3A_7 : memref<1x128xi32, #tpu.memory_space<vmem>> -> memref<128xi32, #tpu.memory_space<vmem>>
    %dma_start3A_9 = arith.constant 0 : i32
    %dma_start3A_10 = arith.constant 0 : i32
    %dma_start3A_11 = tpu.memref_slice %arg2[%dma_start3A_9, %dma_start3A_10] : memref<1024x128xf32, #tpu.memory_space<hbm>> -> memref<1024x128xf32, #tpu.memory_space<hbm>>
    tpu.enqueue_indirect_dma source(%dma_start3A_11 : memref<1024x128xf32, #tpu.memory_space<hbm>>) target(%dma_start3A_5 : memref<128x128xf32, #tpu.memory_space<vmem>>) offsets(%dma_start3A_8 : memref<128xi32, #tpu.memory_space<vmem>>) semaphore(%arg7 : memref<!tpu.dma_semaphore, #tpu.memory_space<semaphore_mem>>)
    %dma_start3A_12 = arith.constant 1 : i32
    %dma_start3A_13 = arith.constant 128 : i32
    %dma_start3A_14 = arith.constant 0 : i32
    %dma_start3A_15 = tpu.memref_slice %arg6[%dma_start3A_13, %dma_start3A_14] : memref<256x128xf32, #tpu.memory_space<vmem>> -> memref<128x128xf32, #tpu.memory_space<vmem>>
    %dma_start3A_16 = arith.constant 0 : i32
    %dma_start3A_17 = tpu.memref_slice %arg5[%dma_start3A_12, %dma_start3A_16] : memref<2x128xi32, #tpu.memory_space<vmem>> -> memref<1x128xi32, #tpu.memory_space<vmem>>
    %dma_start3A_18 = tpu.memref_squeeze %dma_start3A_17 : memref<1x128xi32, #tpu.memory_space<vmem>> -> memref<128xi32, #tpu.memory_space<vmem>>
    %dma_start3A_19 = arith.constant 0 : i32
    %dma_start3A_20 = arith.constant 0 : i32
    %dma_start3A_21 = tpu.memref_slice %arg2[%dma_start3A_19, %dma_start3A_20] : memref<1024x128xf32, #tpu.memory_space<hbm>> -> memref<1024x128xf32, #tpu.memory_space<hbm>>
    tpu.enqueue_indirect_dma source(%dma_start3A_21 : memref<1024x128xf32, #tpu.memory_space<hbm>>) target(%dma_start3A_15 : memref<128x128xf32, #tpu.memory_space<vmem>>) offsets(%dma_start3A_18 : memref<128xi32, #tpu.memory_space<vmem>>) semaphore(%arg7 : memref<!tpu.dma_semaphore, #tpu.memory_space<semaphore_mem>>)
    %dma_wait3A = arith.constant 0 : i32
    %dma_wait3A_22 = arith.constant 0 : i32
    %dma_wait3A_23 = arith.constant 0 : i32
    %dma_wait3A_24 = tpu.memref_slice %arg6[%dma_wait3A_22, %dma_wait3A_23] : memref<256x128xf32, #tpu.memory_space<vmem>> -> memref<128x128xf32, #tpu.memory_space<vmem>>
    %dma_wait3A_25 = arith.constant 0 : i32
    %dma_wait3A_26 = tpu.memref_slice %arg5[%dma_wait3A, %dma_wait3A_25] : memref<2x128xi32, #tpu.memory_space<vmem>> -> memref<1x128xi32, #tpu.memory_space<vmem>>
    %dma_wait3A_27 = tpu.memref_squeeze %dma_wait3A_26 : memref<1x128xi32, #tpu.memory_space<vmem>> -> memref<128xi32, #tpu.memory_space<vmem>>
    %dma_wait3A_28 = arith.constant 0 : i32
    %dma_wait3A_29 = arith.constant 0 : i32
    %dma_wait3A_30 = tpu.memref_slice %arg2[%dma_wait3A_28, %dma_wait3A_29] : memref<1024x128xf32, #tpu.memory_space<hbm>> -> memref<1024x128xf32, #tpu.memory_space<hbm>>
    tpu.wait_indirect_dma semaphore(%arg7 : memref<!tpu.dma_semaphore, #tpu.memory_space<semaphore_mem>>) src(%dma_wait3A_30 : memref<1024x128xf32, #tpu.memory_space<hbm>>) dst(%dma_wait3A_24 : memref<128x128xf32, #tpu.memory_space<vmem>>)
    %dma_wait3A_31 = arith.constant 1 : i32
    %dma_wait3A_32 = arith.constant 128 : i32
    %dma_wait3A_33 = arith.constant 0 : i32
    %dma_wait3A_34 = tpu.memref_slice %arg6[%dma_wait3A_32, %dma_wait3A_33] : memref<256x128xf32, #tpu.memory_space<vmem>> -> memref<128x128xf32, #tpu.memory_space<vmem>>
    %dma_wait3A_35 = arith.constant 0 : i32
    %dma_wait3A_36 = tpu.memref_slice %arg5[%dma_wait3A_31, %dma_wait3A_35] : memref<2x128xi32, #tpu.memory_space<vmem>> -> memref<1x128xi32, #tpu.memory_space<vmem>>
    %dma_wait3A_37 = tpu.memref_squeeze %dma_wait3A_36 : memref<1x128xi32, #tpu.memory_space<vmem>> -> memref<128xi32, #tpu.memory_space<vmem>>
    %dma_wait3A_38 = arith.constant 0 : i32
    %dma_wait3A_39 = arith.constant 0 : i32
    %dma_wait3A_40 = tpu.memref_slice %arg2[%dma_wait3A_38, %dma_wait3A_39] : memref<1024x128xf32, #tpu.memory_space<hbm>> -> memref<1024x128xf32, #tpu.memory_space<hbm>>
    tpu.wait_indirect_dma semaphore(%arg7 : memref<!tpu.dma_semaphore, #tpu.memory_space<semaphore_mem>>) src(%dma_wait3A_40 : memref<1024x128xf32, #tpu.memory_space<hbm>>) dst(%dma_wait3A_34 : memref<128x128xf32, #tpu.memory_space<vmem>>)
    %mul3A_41 = arith.constant 256 : i32
    %mul3A_42 = arith.muli %add3A, %mul3A_41 : i32
    "tpu.region"() ({
      %run_scoped3A = tpu.sem_alloc : memref<!tpu.dma_semaphore, #tpu.memory_space<semaphore_mem>>
      %dma_start3A_43 = arith.constant 0 : i32
      %dma_start3A_44 = tpu.memref_slice %arg4[%mul3A_42, %dma_start3A_43] : memref<8192x128xf32, #tpu.memory_space<hbm>> -> memref<256x128xf32, #tpu.memory_space<hbm>>
      %dma_start3A_45 = arith.constant 0 : i32
      %dma_start3A_46 = tpu.memref_slice %arg4[%mul3A_42, %dma_start3A_45] : memref<8192x128xf32, #tpu.memory_space<hbm>> -> memref<256x128xf32, #tpu.memory_space<hbm>>
      tpu.enqueue_dma source(%arg6 : memref<256x128xf32, #tpu.memory_space<vmem>>) target(%dma_start3A_46 : memref<256x128xf32, #tpu.memory_space<hbm>>) target_semaphore(%run_scoped3A : memref<!tpu.dma_semaphore, #tpu.memory_space<semaphore_mem>>)
      %dma_wait3A_47 = arith.constant 0 : i32
      %dma_wait3A_48 = tpu.memref_slice %arg4[%mul3A_42, %dma_wait3A_47] : memref<8192x128xf32, #tpu.memory_space<hbm>> -> memref<256x128xf32, #tpu.memory_space<hbm>>
      %dma_wait3A_49 = arith.constant 0 : i32
      %dma_wait3A_50 = tpu.memref_slice %arg4[%mul3A_42, %dma_wait3A_49] : memref<8192x128xf32, #tpu.memory_space<hbm>> -> memref<256x128xf32, #tpu.memory_space<hbm>>
      tpu.wait_dma2 semaphore(%run_scoped3A : memref<!tpu.dma_semaphore, #tpu.memory_space<semaphore_mem>>) src(%arg6 : memref<256x128xf32, #tpu.memory_space<vmem>>) dst(%dma_wait3A_50 : memref<256x128xf32, #tpu.memory_space<hbm>>)
      tpu.yield
    }) : () -> ()
    return
  }
}

#map = affine_map<(d0, d1) -> (0, 0)>
module attributes {stable_mosaic.version = 14 : i64} {
  func.func @_gather_body(%arg0: i32, %arg1: i32, %arg2: memref<1024x128xf32, #tpu.memory_space<hbm>>, %arg3: memref<64x128xi32, #tpu.memory_space<hbm>>, %arg4: memref<8192x128xf32, #tpu.memory_space<hbm>>, %arg5: memref<2x128xi32, #tpu.memory_space<vmem>>, %arg6: memref<256x128xf32, #tpu.memory_space<vmem>>, %arg7: memref<!tpu.dma_semaphore, #tpu.memory_space<semaphore_mem>>) attributes {dimension_semantics = [#tpu.dimension_semantics<core_parallel>, #tpu.dimension_semantics<subcore_parallel>], iteration_bounds = array<i64: 2, 16>, scalar_prefetch = 0 : i64, scratch_operands = 3 : i64, tpu.core_type = #tpu.core_type<sc_vector_subcore>, window_params = [{transform_indices = #map}, {transform_indices = #map}, {transform_indices = #map}]} {
    %mul3A = arith.constant 2 : i32
    %mul3A_0 = arith.muli %arg1, %mul3A : i32
    %add3A = arith.addi %mul3A_0, %arg0 : i32
    %mul3A_1 = arith.constant 2 : i32
    %mul3A_2 = arith.muli %add3A, %mul3A_1 : i32
    "tpu.region"() ({
      %run_scoped3A = tpu.sem_alloc : memref<!tpu.dma_semaphore, #tpu.memory_space<semaphore_mem>>
      %dma_start3A_43 = arith.constant 0 : i32
      %dma_start3A_44 = tpu.memref_slice %arg3[%mul3A_2, %dma_start3A_43] : memref<64x128xi32, #tpu.memory_space<hbm>> -> memref<2x128xi32, #tpu.memory_space<hbm>>
      %dma_start3A_45 = arith.constant 0 : i32
      %dma_start3A_46 = tpu.memref_slice %arg3[%mul3A_2, %dma_start3A_45] : memref<64x128xi32, #tpu.memory_space<hbm>> -> memref<2x128xi32, #tpu.memory_space<hbm>>
      tpu.enqueue_dma source(%dma_start3A_46 : memref<2x128xi32, #tpu.memory_space<hbm>>) target(%arg5 : memref<2x128xi32, #tpu.memory_space<vmem>>) target_semaphore(%run_scoped3A : memref<!tpu.dma_semaphore, #tpu.memory_space<semaphore_mem>>)
      %dma_wait3A_47 = arith.constant 0 : i32
      %dma_wait3A_48 = tpu.memref_slice %arg3[%mul3A_2, %dma_wait3A_47] : memref<64x128xi32, #tpu.memory_space<hbm>> -> memref<2x128xi32, #tpu.memory_space<hbm>>
      %dma_wait3A_49 = arith.constant 0 : i32
      %dma_wait3A_50 = tpu.memref_slice %arg3[%mul3A_2, %dma_wait3A_49] : memref<64x128xi32, #tpu.memory_space<hbm>> -> memref<2x128xi32, #tpu.memory_space<hbm>>
      tpu.wait_dma2 semaphore(%run_scoped3A : memref<!tpu.dma_semaphore, #tpu.memory_space<semaphore_mem>>) src(%dma_wait3A_50 : memref<2x128xi32, #tpu.memory_space<hbm>>) dst(%arg5 : memref<2x128xi32, #tpu.memory_space<vmem>>)
      tpu.yield
    }) : () -> ()
    %dma_start3A = arith.constant 0 : i32
    %dma_start3A_3 = arith.constant 0 : i32
    %dma_start3A_4 = arith.constant 0 : i32
    %dma_start3A_5 = tpu.memref_slice %arg6[%dma_start3A_3, %dma_start3A_4] : memref<256x128xf32, #tpu.memory_space<vmem>> -> memref<128x128xf32, #tpu.memory_space<vmem>>
    %dma_start3A_6 = arith.constant 0 : i32
    %dma_start3A_7 = tpu.memref_slice %arg5[%dma_start3A, %dma_start3A_6] : memref<2x128xi32, #tpu.memory_space<vmem>> -> memref<1x128xi32, #tpu.memory_space<vmem>>
    %dma_start3A_8 = tpu.memref_squeeze %dma_start3A_7 : memref<1x128xi32, #tpu.memory_space<vmem>> -> memref<128xi32, #tpu.memory_space<vmem>>
    %dma_start3A_9 = arith.constant 0 : i32
    %dma_start3A_10 = arith.constant 0 : i32
    %dma_start3A_11 = tpu.memref_slice %arg2[%dma_start3A_9, %dma_start3A_10] : memref<1024x128xf32, #tpu.memory_space<hbm>> -> memref<1024x128xf32, #tpu.memory_space<hbm>>
    tpu.enqueue_indirect_dma source(%dma_start3A_11 : memref<1024x128xf32, #tpu.memory_space<hbm>>) target(%dma_start3A_5 : memref<128x128xf32, #tpu.memory_space<vmem>>) offsets(%dma_start3A_8 : memref<128xi32, #tpu.memory_space<vmem>>) semaphore(%arg7 : memref<!tpu.dma_semaphore, #tpu.memory_space<semaphore_mem>>)
    %dma_start3A_12 = arith.constant 1 : i32
    %dma_start3A_13 = arith.constant 128 : i32
    %dma_start3A_14 = arith.constant 0 : i32
    %dma_start3A_15 = tpu.memref_slice %arg6[%dma_start3A_13, %dma_start3A_14] : memref<256x128xf32, #tpu.memory_space<vmem>> -> memref<128x128xf32, #tpu.memory_space<vmem>>
    %dma_start3A_16 = arith.constant 0 : i32
    %dma_start3A_17 = tpu.memref_slice %arg5[%dma_start3A_12, %dma_start3A_16] : memref<2x128xi32, #tpu.memory_space<vmem>> -> memref<1x128xi32, #tpu.memory_space<vmem>>
    %dma_start3A_18 = tpu.memref_squeeze %dma_start3A_17 : memref<1x128xi32, #tpu.memory_space<vmem>> -> memref<128xi32, #tpu.memory_space<vmem>>
    %dma_start3A_19 = arith.constant 0 : i32
    %dma_start3A_20 = arith.constant 0 : i32
    %dma_start3A_21 = tpu.memref_slice %arg2[%dma_start3A_19, %dma_start3A_20] : memref<1024x128xf32, #tpu.memory_space<hbm>> -> memref<1024x128xf32, #tpu.memory_space<hbm>>
    tpu.enqueue_indirect_dma source(%dma_start3A_21 : memref<1024x128xf32, #tpu.memory_space<hbm>>) target(%dma_start3A_15 : memref<128x128xf32, #tpu.memory_space<vmem>>) offsets(%dma_start3A_18 : memref<128xi32, #tpu.memory_space<vmem>>) semaphore(%arg7 : memref<!tpu.dma_semaphore, #tpu.memory_space<semaphore_mem>>)
    %dma_wait3A = arith.constant 0 : i32
    %dma_wait3A_22 = arith.constant 0 : i32
    %dma_wait3A_23 = arith.constant 0 : i32
    %dma_wait3A_24 = tpu.memref_slice %arg6[%dma_wait3A_22, %dma_wait3A_23] : memref<256x128xf32, #tpu.memory_space<vmem>> -> memref<128x128xf32, #tpu.memory_space<vmem>>
    %dma_wait3A_25 = arith.constant 0 : i32
    %dma_wait3A_26 = tpu.memref_slice %arg5[%dma_wait3A, %dma_wait3A_25] : memref<2x128xi32, #tpu.memory_space<vmem>> -> memref<1x128xi32, #tpu.memory_space<vmem>>
    %dma_wait3A_27 = tpu.memref_squeeze %dma_wait3A_26 : memref<1x128xi32, #tpu.memory_space<vmem>> -> memref<128xi32, #tpu.memory_space<vmem>>
    %dma_wait3A_28 = arith.constant 0 : i32
    %dma_wait3A_29 = arith.constant 0 : i32
    %dma_wait3A_30 = tpu.memref_slice %arg2[%dma_wait3A_28, %dma_wait3A_29] : memref<1024x128xf32, #tpu.memory_space<hbm>> -> memref<1024x128xf32, #tpu.memory_space<hbm>>
    tpu.wait_indirect_dma semaphore(%arg7 : memref<!tpu.dma_semaphore, #tpu.memory_space<semaphore_mem>>) src(%dma_wait3A_30 : memref<1024x128xf32, #tpu.memory_space<hbm>>) dst(%dma_wait3A_24 : memref<128x128xf32, #tpu.memory_space<vmem>>)
    %dma_wait3A_31 = arith.constant 1 : i32
    %dma_wait3A_32 = arith.constant 128 : i32
    %dma_wait3A_33 = arith.constant 0 : i32
    %dma_wait3A_34 = tpu.memref_slice %arg6[%dma_wait3A_32, %dma_wait3A_33] : memref<256x128xf32, #tpu.memory_space<vmem>> -> memref<128x128xf32, #tpu.memory_space<vmem>>
    %dma_wait3A_35 = arith.constant 0 : i32
    %dma_wait3A_36 = tpu.memref_slice %arg5[%dma_wait3A_31, %dma_wait3A_35] : memref<2x128xi32, #tpu.memory_space<vmem>> -> memref<1x128xi32, #tpu.memory_space<vmem>>
    %dma_wait3A_37 = tpu.memref_squeeze %dma_wait3A_36 : memref<1x128xi32, #tpu.memory_space<vmem>> -> memref<128xi32, #tpu.memory_space<vmem>>
    %dma_wait3A_38 = arith.constant 0 : i32
    %dma_wait3A_39 = arith.constant 0 : i32
    %dma_wait3A_40 = tpu.memref_slice %arg2[%dma_wait3A_38, %dma_wait3A_39] : memref<1024x128xf32, #tpu.memory_space<hbm>> -> memref<1024x128xf32, #tpu.memory_space<hbm>>
    tpu.wait_indirect_dma semaphore(%arg7 : memref<!tpu.dma_semaphore, #tpu.memory_space<semaphore_mem>>) src(%dma_wait3A_40 : memref<1024x128xf32, #tpu.memory_space<hbm>>) dst(%dma_wait3A_34 : memref<128x128xf32, #tpu.memory_space<vmem>>)
    %mul3A_41 = arith.constant 256 : i32
    %mul3A_42 = arith.muli %add3A, %mul3A_41 : i32
    "tpu.region"() ({
      %run_scoped3A = tpu.sem_alloc : memref<!tpu.dma_semaphore, #tpu.memory_space<semaphore_mem>>
      %dma_start3A_43 = arith.constant 0 : i32
      %dma_start3A_44 = tpu.memref_slice %arg4[%mul3A_42, %dma_start3A_43] : memref<8192x128xf32, #tpu.memory_space<hbm>> -> memref<256x128xf32, #tpu.memory_space<hbm>>
      %dma_start3A_45 = arith.constant 0 : i32
      %dma_start3A_46 = tpu.memref_slice %arg4[%mul3A_42, %dma_start3A_45] : memref<8192x128xf32, #tpu.memory_space<hbm>> -> memref<256x128xf32, #tpu.memory_space<hbm>>
      tpu.enqueue_dma source(%arg6 : memref<256x128xf32, #tpu.memory_space<vmem>>) target(%dma_start3A_46 : memref<256x128xf32, #tpu.memory_space<hbm>>) target_semaphore(%run_scoped3A : memref<!tpu.dma_semaphore, #tpu.memory_space<semaphore_mem>>)
      %dma_wait3A_47 = arith.constant 0 : i32
      %dma_wait3A_48 = tpu.memref_slice %arg4[%mul3A_42, %dma_wait3A_47] : memref<8192x128xf32, #tpu.memory_space<hbm>> -> memref<256x128xf32, #tpu.memory_space<hbm>>
      %dma_wait3A_49 = arith.constant 0 : i32
      %dma_wait3A_50 = tpu.memref_slice %arg4[%mul3A_42, %dma_wait3A_49] : memref<8192x128xf32, #tpu.memory_space<hbm>> -> memref<256x128xf32, #tpu.memory_space<hbm>>
      tpu.wait_dma2 semaphore(%run_scoped3A : memref<!tpu.dma_semaphore, #tpu.memory_space<semaphore_mem>>) src(%arg6 : memref<256x128xf32, #tpu.memory_space<vmem>>) dst(%dma_wait3A_50 : memref<256x128xf32, #tpu.memory_space<hbm>>)
      tpu.yield
    }) : () -> ()
    return
  }
}

module attributes {stable_mosaic.version = 14 : i64} {
  func.func @_vq_body(%arg0: i32, %arg1: memref<64x2048xf32, #tpu.memory_space<vmem>>, %arg2: memref<1024x64xf32, #tpu.memory_space<vmem>>, %arg3: memref<1024x1xf32, #tpu.memory_space<vmem>>, %arg4: memref<1x2048xf32, #tpu.memory_space<vmem>>, %arg5: memref<16x128xi32, #tpu.memory_space<vmem>>, %arg6: memref<1x1xf32, #tpu.memory_space<vmem>>) attributes {dimension_semantics = [#tpu.dimension_semantics<arbitrary>], iteration_bounds = array<i64: 4>, scalar_prefetch = 0 : i64, scratch_operands = 0 : i64, tpu.core_type = #tpu.core_type<tc>, window_params = [{transform_indices = @transform_0, window_bounds = array<i64: 64, 2048>}, {pipeline_mode = #tpu.pipeline_mode<synchronous>, transform_indices = @transform_1, window_bounds = array<i64: 1024, 64>}, {pipeline_mode = #tpu.pipeline_mode<synchronous>, transform_indices = @transform_2, window_bounds = array<i64: 1024, 1>}, {transform_indices = @transform_3, window_bounds = array<i64: 1, 2048>}, {transform_indices = @transform_4, window_bounds = array<i64: 16, 128>}, {pipeline_mode = #tpu.pipeline_mode<synchronous>, transform_indices = @transform_5, window_bounds = array<i64: 1, 1>}]} {
    %get3A = arith.constant 0 : index
    %get3A_0 = arith.constant 0 : index
    %get3A_1 = vector.load %arg1[%get3A, %get3A_0] : memref<64x2048xf32, #tpu.memory_space<vmem>>, vector<64x2048xf32>
    %get3A_2 = arith.constant 0 : index
    %get3A_3 = arith.constant 0 : index
    %get3A_4 = vector.load %arg2[%get3A_2, %get3A_3] : memref<1024x64xf32, #tpu.memory_space<vmem>>, vector<1024x64xf32>
    %get3A_5 = arith.constant 0 : index
    %get3A_6 = arith.constant 0 : index
    %get3A_7 = vector.load %arg3[%get3A_5, %get3A_6] : memref<1024x1xf32, #tpu.memory_space<vmem>>, vector<1024x1xf32>
    %get3A_8 = arith.constant 0 : index
    %get3A_9 = arith.constant 0 : index
    %get3A_10 = vector.load %arg4[%get3A_8, %get3A_9] : memref<1x2048xf32, #tpu.memory_space<vmem>>, vector<1x2048xf32>
    %dot_general3A = arith.constant dense<0.000000e+00> : vector<1024x2048xf32>
    %dot_general3A_11 = tpu.matmul %get3A_4, %get3A_1, %dot_general3A {dimension_numbers = #tpu.dot_dimension_numbers<[1], [0], [0], [1], [0, 0, 1, 1], [], []>, transpose_lhs_hint = false} : vector<1024x64xf32>, vector<64x2048xf32>, vector<1024x2048xf32> -> vector<1024x2048xf32>
    %add3A = vector.broadcast %get3A_10 : vector<1x2048xf32> to vector<1024x2048xf32>
    %add3A_12 = vector.broadcast %get3A_7 : vector<1024x1xf32> to vector<1024x2048xf32>
    %add3A_13 = arith.addf %add3A, %add3A_12 : vector<1024x2048xf32>
    %sub3A = arith.subf %add3A_13, %dot_general3A_11 : vector<1024x2048xf32>
    %reduce_min3A = arith.constant dense<0x7F800000> : vector<2048xf32>
    %reduce_min3A_14 = vector.multi_reduction <minimumf>, %sub3A, %reduce_min3A [0] : vector<1024x2048xf32> to vector<2048xf32>
    %broadcast_in_dim3A = vector.shape_cast %reduce_min3A_14 : vector<2048xf32> to vector<1x2048xf32>
    %iota3A = tpu.iota {dimensions = array<i32: 0>} : vector<1024x2048xi32>
    %eq3A = vector.broadcast %broadcast_in_dim3A : vector<1x2048xf32> to vector<1024x2048xf32>
    %eq3A_15 = arith.cmpf oeq, %sub3A, %eq3A : vector<1024x2048xf32>
    %jit3A = arith.constant 1024 : i32
    %broadcast_in_dim3A_16 = vector.broadcast %jit3A : i32 to vector<1024x2048xi32>
    %select_n3A = arith.select %eq3A_15, %iota3A, %broadcast_in_dim3A_16 : vector<1024x2048xi1>, vector<1024x2048xi32>
    %reduce_min3A_17 = arith.constant dense<2147483647> : vector<2048xi32>
    %reduce_min3A_18 = vector.multi_reduction <minsi>, %select_n3A, %reduce_min3A_17 [0] : vector<1024x2048xi32> to vector<2048xi32>
    %reshape3A = vector.shape_cast %reduce_min3A_18 : vector<2048xi32> to vector<16x128xi32>
    %swap3A = arith.constant 0 : index
    %swap3A_19 = arith.constant 0 : index
    %swap3A_20 = vector.load %arg5[%swap3A, %swap3A_19] : memref<16x128xi32, #tpu.memory_space<vmem>>, vector<16x128xi32>
    tpu.vector_store %arg5[%swap3A, %swap3A_19], %reshape3A {strides = array<i32>} : memref<16x128xi32, #tpu.memory_space<vmem>>, vector<16x128xi32>,
    %eq3A_21 = arith.constant 0 : i32
    %eq3A_22 = arith.cmpi eq, %arg0, %eq3A_21 : i32
    %convert_element_type3A = arith.extui %eq3A_22 : i1 to i32
    %cond3A = arith.constant 0 : i32
    %cond3A_23 = arith.cmpi ne, %convert_element_type3A, %cond3A : i32
    scf.if %cond3A_23 {
      %broadcast_in_dim3A_36 = arith.constant 0.000000e+00 : f32
      %broadcast_in_dim3A_37 = vector.broadcast %broadcast_in_dim3A_36 : f32 to vector<1x1xf32>
      %swap3A_38 = arith.constant 0 : index
      %swap3A_39 = arith.constant 0 : index
      %swap3A_40 = vector.load %arg6[%swap3A_38, %swap3A_39] : memref<1x1xf32, #tpu.memory_space<vmem>>, vector<1x1xf32>
      tpu.vector_store %arg6[%swap3A_38, %swap3A_39], %broadcast_in_dim3A_37 {strides = array<i32>} : memref<1x1xf32, #tpu.memory_space<vmem>>, vector<1x1xf32>,
    } else {
    }
    %get3A_24 = arith.constant 0 : index
    %get3A_25 = arith.constant 0 : index
    %get3A_26 = vector.load %arg6[%get3A_24, %get3A_25] : memref<1x1xf32, #tpu.memory_space<vmem>>, vector<1x1xf32>
    %reduce_sum3A = vector.shape_cast %broadcast_in_dim3A : vector<1x2048xf32> to vector<1x1x2048xf32>
    %reduce_sum3A_27 = arith.constant dense<0.000000e+00> : vector<1xf32>
    %reduce_sum3A_28 = vector.multi_reduction <add>, %reduce_sum3A, %reduce_sum3A_27 [1, 2] : vector<1x1x2048xf32> to vector<1xf32>
    %reduce_sum3A_29 = vector.shape_cast %reduce_sum3A_28 : vector<1xf32> to vector<1x1x1xf32>
    %reduce_sum3A_30 = vector.extract %reduce_sum3A_29[0, 0, 0] : f32 from vector<1x1x1xf32>
    %reshape3A_31 = vector.broadcast %reduce_sum3A_30 : f32 to vector<1x1xf32>
    %add3A_32 = arith.addf %get3A_26, %reshape3A_31 : vector<1x1xf32>
    %swap3A_33 = arith.constant 0 : index
    %swap3A_34 = arith.constant 0 : index
    %swap3A_35 = vector.load %arg6[%swap3A_33, %swap3A_34] : memref<1x1xf32, #tpu.memory_space<vmem>>, vector<1x1xf32>
    tpu.vector_store %arg6[%swap3A_33, %swap3A_34], %add3A_32 {strides = array<i32>} : memref<1x1xf32, #tpu.memory_space<vmem>>, vector<1x1xf32>,
    return
  }
  func.func @transform_0(%arg0: i32) -> (i32, i32) {
    %add3A = arith.constant 0 : i32
    %add3A_0 = arith.addi %add3A, %arg0 : i32
    %c0_i32 = arith.constant 0 : i32
    %c0_i32_1 = arith.constant 0 : i32
    return %c0_i32, %add3A_0 : i32, i32
  }
  func.func @transform_1(%arg0: i32) -> (i32, i32) {
    %c0_i32 = arith.constant 0 : i32
    %c0_i32_0 = arith.constant 0 : i32
    %c0_i32_1 = arith.constant 0 : i32
    return %c0_i32, %c0_i32_0 : i32, i32
  }
  func.func @transform_2(%arg0: i32) -> (i32, i32) {
    %c0_i32 = arith.constant 0 : i32
    %c0_i32_0 = arith.constant 0 : i32
    %c0_i32_1 = arith.constant 0 : i32
    return %c0_i32, %c0_i32_0 : i32, i32
  }
  func.func @transform_3(%arg0: i32) -> (i32, i32) {
    %add3A = arith.constant 0 : i32
    %add3A_0 = arith.addi %add3A, %arg0 : i32
    %c0_i32 = arith.constant 0 : i32
    %c0_i32_1 = arith.constant 0 : i32
    return %c0_i32, %add3A_0 : i32, i32
  }
  func.func @transform_4(%arg0: i32) -> (i32, i32) {
    %c0_i32 = arith.constant 0 : i32
    %c0_i32_0 = arith.constant 0 : i32
    return %arg0, %c0_i32 : i32, i32
  }
  func.func @transform_5(%arg0: i32) -> (i32, i32) {
    %c0_i32 = arith.constant 0 : i32
    %c0_i32_0 = arith.constant 0 : i32
    %c0_i32_1 = arith.constant 0 : i32
    return %c0_i32, %c0_i32_0 : i32, i32
  }
}

module attributes {stable_mosaic.version = 14 : i64} {
  func.func @_vq_body(%arg0: i32, %arg1: memref<64x2048xf32, #tpu.memory_space<vmem>>, %arg2: memref<1024x64xf32, #tpu.memory_space<vmem>>, %arg3: memref<1024x1xf32, #tpu.memory_space<vmem>>, %arg4: memref<1x2048xf32, #tpu.memory_space<vmem>>, %arg5: memref<16x128xi32, #tpu.memory_space<vmem>>, %arg6: memref<1x1xf32, #tpu.memory_space<vmem>>) attributes {dimension_semantics = [#tpu.dimension_semantics<arbitrary>], iteration_bounds = array<i64: 4>, scalar_prefetch = 0 : i64, scratch_operands = 0 : i64, tpu.core_type = #tpu.core_type<tc>, window_params = [{transform_indices = @transform_0, window_bounds = array<i64: 64, 2048>}, {pipeline_mode = #tpu.pipeline_mode<synchronous>, transform_indices = @transform_1, window_bounds = array<i64: 1024, 64>}, {pipeline_mode = #tpu.pipeline_mode<synchronous>, transform_indices = @transform_2, window_bounds = array<i64: 1024, 1>}, {transform_indices = @transform_3, window_bounds = array<i64: 1, 2048>}, {transform_indices = @transform_4, window_bounds = array<i64: 16, 128>}, {pipeline_mode = #tpu.pipeline_mode<synchronous>, transform_indices = @transform_5, window_bounds = array<i64: 1, 1>}]} {
    %get3A = arith.constant 0 : index
    %get3A_0 = arith.constant 0 : index
    %get3A_1 = vector.load %arg1[%get3A, %get3A_0] : memref<64x2048xf32, #tpu.memory_space<vmem>>, vector<64x2048xf32>
    %get3A_2 = arith.constant 0 : index
    %get3A_3 = arith.constant 0 : index
    %get3A_4 = vector.load %arg2[%get3A_2, %get3A_3] : memref<1024x64xf32, #tpu.memory_space<vmem>>, vector<1024x64xf32>
    %get3A_5 = arith.constant 0 : index
    %get3A_6 = arith.constant 0 : index
    %get3A_7 = vector.load %arg3[%get3A_5, %get3A_6] : memref<1024x1xf32, #tpu.memory_space<vmem>>, vector<1024x1xf32>
    %get3A_8 = arith.constant 0 : index
    %get3A_9 = arith.constant 0 : index
    %get3A_10 = vector.load %arg4[%get3A_8, %get3A_9] : memref<1x2048xf32, #tpu.memory_space<vmem>>, vector<1x2048xf32>
    %dot_general3A = arith.constant dense<0.000000e+00> : vector<1024x2048xf32>
    %dot_general3A_11 = tpu.matmul %get3A_4, %get3A_1, %dot_general3A {dimension_numbers = #tpu.dot_dimension_numbers<[1], [0], [0], [1], [0, 0, 1, 1], [], []>, transpose_lhs_hint = false} : vector<1024x64xf32>, vector<64x2048xf32>, vector<1024x2048xf32> -> vector<1024x2048xf32>
    %add3A = vector.broadcast %get3A_10 : vector<1x2048xf32> to vector<1024x2048xf32>
    %add3A_12 = vector.broadcast %get3A_7 : vector<1024x1xf32> to vector<1024x2048xf32>
    %add3A_13 = arith.addf %add3A, %add3A_12 : vector<1024x2048xf32>
    %sub3A = arith.subf %add3A_13, %dot_general3A_11 : vector<1024x2048xf32>
    %reduce_min3A = arith.constant dense<0x7F800000> : vector<2048xf32>
    %reduce_min3A_14 = vector.multi_reduction <minimumf>, %sub3A, %reduce_min3A [0] : vector<1024x2048xf32> to vector<2048xf32>
    %broadcast_in_dim3A = vector.shape_cast %reduce_min3A_14 : vector<2048xf32> to vector<1x2048xf32>
    %iota3A = tpu.iota {dimensions = array<i32: 0>} : vector<1024x2048xi32>
    %eq3A = vector.broadcast %broadcast_in_dim3A : vector<1x2048xf32> to vector<1024x2048xf32>
    %eq3A_15 = arith.cmpf oeq, %sub3A, %eq3A : vector<1024x2048xf32>
    %jit3A = arith.constant 1024 : i32
    %broadcast_in_dim3A_16 = vector.broadcast %jit3A : i32 to vector<1024x2048xi32>
    %select_n3A = arith.select %eq3A_15, %iota3A, %broadcast_in_dim3A_16 : vector<1024x2048xi1>, vector<1024x2048xi32>
    %reduce_min3A_17 = arith.constant dense<2147483647> : vector<2048xi32>
    %reduce_min3A_18 = vector.multi_reduction <minsi>, %select_n3A, %reduce_min3A_17 [0] : vector<1024x2048xi32> to vector<2048xi32>
    %reshape3A = vector.shape_cast %reduce_min3A_18 : vector<2048xi32> to vector<16x128xi32>
    %swap3A = arith.constant 0 : index
    %swap3A_19 = arith.constant 0 : index
    %swap3A_20 = vector.load %arg5[%swap3A, %swap3A_19] : memref<16x128xi32, #tpu.memory_space<vmem>>, vector<16x128xi32>
    tpu.vector_store %arg5[%swap3A, %swap3A_19], %reshape3A {strides = array<i32>} : memref<16x128xi32, #tpu.memory_space<vmem>>, vector<16x128xi32>,
    %eq3A_21 = arith.constant 0 : i32
    %eq3A_22 = arith.cmpi eq, %arg0, %eq3A_21 : i32
    %convert_element_type3A = arith.extui %eq3A_22 : i1 to i32
    %cond3A = arith.constant 0 : i32
    %cond3A_23 = arith.cmpi ne, %convert_element_type3A, %cond3A : i32
    scf.if %cond3A_23 {
      %broadcast_in_dim3A_36 = arith.constant 0.000000e+00 : f32
      %broadcast_in_dim3A_37 = vector.broadcast %broadcast_in_dim3A_36 : f32 to vector<1x1xf32>
      %swap3A_38 = arith.constant 0 : index
      %swap3A_39 = arith.constant 0 : index
      %swap3A_40 = vector.load %arg6[%swap3A_38, %swap3A_39] : memref<1x1xf32, #tpu.memory_space<vmem>>, vector<1x1xf32>
      tpu.vector_store %arg6[%swap3A_38, %swap3A_39], %broadcast_in_dim3A_37 {strides = array<i32>} : memref<1x1xf32, #tpu.memory_space<vmem>>, vector<1x1xf32>,
    } else {
    }
    %get3A_24 = arith.constant 0 : index
    %get3A_25 = arith.constant 0 : index
    %get3A_26 = vector.load %arg6[%get3A_24, %get3A_25] : memref<1x1xf32, #tpu.memory_space<vmem>>, vector<1x1xf32>
    %reduce_sum3A = vector.shape_cast %broadcast_in_dim3A : vector<1x2048xf32> to vector<1x1x2048xf32>
    %reduce_sum3A_27 = arith.constant dense<0.000000e+00> : vector<1xf32>
    %reduce_sum3A_28 = vector.multi_reduction <add>, %reduce_sum3A, %reduce_sum3A_27 [1, 2] : vector<1x1x2048xf32> to vector<1xf32>
    %reduce_sum3A_29 = vector.shape_cast %reduce_sum3A_28 : vector<1xf32> to vector<1x1x1xf32>
    %reduce_sum3A_30 = vector.extract %reduce_sum3A_29[0, 0, 0] : f32 from vector<1x1x1xf32>
    %reshape3A_31 = vector.broadcast %reduce_sum3A_30 : f32 to vector<1x1xf32>
    %add3A_32 = arith.addf %get3A_26, %reshape3A_31 : vector<1x1xf32>
    %swap3A_33 = arith.constant 0 : index
    %swap3A_34 = arith.constant 0 : index
    %swap3A_35 = vector.load %arg6[%swap3A_33, %swap3A_34] : memref<1x1xf32, #tpu.memory_space<vmem>>, vector<1x1xf32>
    tpu.vector_store %arg6[%swap3A_33, %swap3A_34], %add3A_32 {strides = array<i32>} : memref<1x1xf32, #tpu.memory_space<vmem>>, vector<1x1xf32>,
    return
  }
  func.func @transform_0(%arg0: i32) -> (i32, i32) {
    %add3A = arith.constant 4 : i32
    %add3A_0 = arith.addi %add3A, %arg0 : i32
    %c0_i32 = arith.constant 0 : i32
    %c0_i32_1 = arith.constant 0 : i32
    return %c0_i32, %add3A_0 : i32, i32
  }
  func.func @transform_1(%arg0: i32) -> (i32, i32) {
    %c0_i32 = arith.constant 0 : i32
    %c0_i32_0 = arith.constant 0 : i32
    %c0_i32_1 = arith.constant 0 : i32
    return %c0_i32, %c0_i32_0 : i32, i32
  }
  func.func @transform_2(%arg0: i32) -> (i32, i32) {
    %c0_i32 = arith.constant 0 : i32
    %c0_i32_0 = arith.constant 0 : i32
    %c0_i32_1 = arith.constant 0 : i32
    return %c0_i32, %c0_i32_0 : i32, i32
  }
  func.func @transform_3(%arg0: i32) -> (i32, i32) {
    %add3A = arith.constant 4 : i32
    %add3A_0 = arith.addi %add3A, %arg0 : i32
    %c0_i32 = arith.constant 0 : i32
    %c0_i32_1 = arith.constant 0 : i32
    return %c0_i32, %add3A_0 : i32, i32
  }
  func.func @transform_4(%arg0: i32) -> (i32, i32) {
    %c0_i32 = arith.constant 0 : i32
    %c0_i32_0 = arith.constant 0 : i32
    return %arg0, %c0_i32 : i32, i32
  }
  func.func @transform_5(%arg0: i32) -> (i32, i32) {
    %c0_i32 = arith.constant 0 : i32
    %c0_i32_0 = arith.constant 0 : i32
    %c0_i32_1 = arith.constant 0 : i32
    return %c0_i32, %c0_i32_0 : i32, i32
  }
}

module attributes {stable_mosaic.version = 14 : i64} {
  func.func @_vq_t0_body(%arg0: i32, %arg1: memref<64x2048xf32, #tpu.memory_space<vmem>>, %arg2: memref<1024x64xf32, #tpu.memory_space<vmem>>, %arg3: memref<1024x1xf32, #tpu.memory_space<vmem>>, %arg4: memref<1x2048xf32, #tpu.memory_space<vmem>>, %arg5: memref<2048x128xf32, #tpu.memory_space<vmem>>, %arg6: memref<16x128xi32, #tpu.memory_space<vmem>>, %arg7: memref<1x1xf32, #tpu.memory_space<vmem>>, %arg8: memref<64x2048xf32, #tpu.memory_space<vmem>>) attributes {dimension_semantics = [#tpu.dimension_semantics<arbitrary>], iteration_bounds = array<i64: 4>, scalar_prefetch = 0 : i64, scratch_operands = 0 : i64, tpu.core_type = #tpu.core_type<tc>, window_params = [{transform_indices = @transform_0, window_bounds = array<i64: 64, 2048>}, {pipeline_mode = #tpu.pipeline_mode<synchronous>, transform_indices = @transform_1, window_bounds = array<i64: 1024, 64>}, {pipeline_mode = #tpu.pipeline_mode<synchronous>, transform_indices = @transform_2, window_bounds = array<i64: 1024, 1>}, {transform_indices = @transform_3, window_bounds = array<i64: 1, 2048>}, {transform_indices = @transform_4, window_bounds = array<i64: 2048, 128>}, {transform_indices = @transform_5, window_bounds = array<i64: 16, 128>}, {pipeline_mode = #tpu.pipeline_mode<synchronous>, transform_indices = @transform_6, window_bounds = array<i64: 1, 1>}, {transform_indices = @transform_7, window_bounds = array<i64: 64, 2048>}]} {
    %get3A = arith.constant 0 : index
    %get3A_0 = arith.constant 0 : index
    %get3A_1 = vector.load %arg5[%get3A, %get3A_0] : memref<2048x128xf32, #tpu.memory_space<vmem>>, vector<2048x128xf32>
    %slice3A = vector.extract_strided_slice %get3A_1 {offsets = [0, 0], sizes = [2048, 64], strides = [1, 1]} : vector<2048x128xf32> to vector<2048x64xf32>
    %transpose3A = tpu.transpose %slice3A, [1, 0] : vector<2048x64xf32> -> vector<64x2048xf32>
    %swap3A = arith.constant 0 : index
    %swap3A_2 = arith.constant 0 : index
    %swap3A_3 = vector.load %arg8[%swap3A, %swap3A_2] : memref<64x2048xf32, #tpu.memory_space<vmem>>, vector<64x2048xf32>
    tpu.vector_store %arg8[%swap3A, %swap3A_2], %transpose3A {strides = array<i32>} : memref<64x2048xf32, #tpu.memory_space<vmem>>, vector<64x2048xf32>,
    %get3A_4 = arith.constant 0 : index
    %get3A_5 = arith.constant 0 : index
    %get3A_6 = vector.load %arg1[%get3A_4, %get3A_5] : memref<64x2048xf32, #tpu.memory_space<vmem>>, vector<64x2048xf32>
    %get3A_7 = arith.constant 0 : index
    %get3A_8 = arith.constant 0 : index
    %get3A_9 = vector.load %arg2[%get3A_7, %get3A_8] : memref<1024x64xf32, #tpu.memory_space<vmem>>, vector<1024x64xf32>
    %get3A_10 = arith.constant 0 : index
    %get3A_11 = arith.constant 0 : index
    %get3A_12 = vector.load %arg3[%get3A_10, %get3A_11] : memref<1024x1xf32, #tpu.memory_space<vmem>>, vector<1024x1xf32>
    %get3A_13 = arith.constant 0 : index
    %get3A_14 = arith.constant 0 : index
    %get3A_15 = vector.load %arg4[%get3A_13, %get3A_14] : memref<1x2048xf32, #tpu.memory_space<vmem>>, vector<1x2048xf32>
    %dot_general3A = arith.constant dense<0.000000e+00> : vector<1024x2048xf32>
    %dot_general3A_16 = tpu.matmul %get3A_9, %get3A_6, %dot_general3A {dimension_numbers = #tpu.dot_dimension_numbers<[1], [0], [0], [1], [0, 0, 1, 1], [], []>, transpose_lhs_hint = false} : vector<1024x64xf32>, vector<64x2048xf32>, vector<1024x2048xf32> -> vector<1024x2048xf32>
    %add3A = vector.broadcast %get3A_15 : vector<1x2048xf32> to vector<1024x2048xf32>
    %add3A_17 = vector.broadcast %get3A_12 : vector<1024x1xf32> to vector<1024x2048xf32>
    %add3A_18 = arith.addf %add3A, %add3A_17 : vector<1024x2048xf32>
    %sub3A = arith.subf %add3A_18, %dot_general3A_16 : vector<1024x2048xf32>
    %reduce_min3A = arith.constant dense<0x7F800000> : vector<2048xf32>
    %reduce_min3A_19 = vector.multi_reduction <minimumf>, %sub3A, %reduce_min3A [0] : vector<1024x2048xf32> to vector<2048xf32>
    %broadcast_in_dim3A = vector.shape_cast %reduce_min3A_19 : vector<2048xf32> to vector<1x2048xf32>
    %iota3A = tpu.iota {dimensions = array<i32: 0>} : vector<1024x2048xi32>
    %eq3A = vector.broadcast %broadcast_in_dim3A : vector<1x2048xf32> to vector<1024x2048xf32>
    %eq3A_20 = arith.cmpf oeq, %sub3A, %eq3A : vector<1024x2048xf32>
    %jit3A = arith.constant 1024 : i32
    %broadcast_in_dim3A_21 = vector.broadcast %jit3A : i32 to vector<1024x2048xi32>
    %select_n3A = arith.select %eq3A_20, %iota3A, %broadcast_in_dim3A_21 : vector<1024x2048xi1>, vector<1024x2048xi32>
    %reduce_min3A_22 = arith.constant dense<2147483647> : vector<2048xi32>
    %reduce_min3A_23 = vector.multi_reduction <minsi>, %select_n3A, %reduce_min3A_22 [0] : vector<1024x2048xi32> to vector<2048xi32>
    %reshape3A = vector.shape_cast %reduce_min3A_23 : vector<2048xi32> to vector<16x128xi32>
    %swap3A_24 = arith.constant 0 : index
    %swap3A_25 = arith.constant 0 : index
    %swap3A_26 = vector.load %arg6[%swap3A_24, %swap3A_25] : memref<16x128xi32, #tpu.memory_space<vmem>>, vector<16x128xi32>
    tpu.vector_store %arg6[%swap3A_24, %swap3A_25], %reshape3A {strides = array<i32>} : memref<16x128xi32, #tpu.memory_space<vmem>>, vector<16x128xi32>,
    %eq3A_27 = arith.constant 0 : i32
    %eq3A_28 = arith.cmpi eq, %arg0, %eq3A_27 : i32
    %convert_element_type3A = arith.extui %eq3A_28 : i1 to i32
    %cond3A = arith.constant 0 : i32
    %cond3A_29 = arith.cmpi ne, %convert_element_type3A, %cond3A : i32
    scf.if %cond3A_29 {
      %broadcast_in_dim3A_42 = arith.constant 0.000000e+00 : f32
      %broadcast_in_dim3A_43 = vector.broadcast %broadcast_in_dim3A_42 : f32 to vector<1x1xf32>
      %swap3A_44 = arith.constant 0 : index
      %swap3A_45 = arith.constant 0 : index
      %swap3A_46 = vector.load %arg7[%swap3A_44, %swap3A_45] : memref<1x1xf32, #tpu.memory_space<vmem>>, vector<1x1xf32>
      tpu.vector_store %arg7[%swap3A_44, %swap3A_45], %broadcast_in_dim3A_43 {strides = array<i32>} : memref<1x1xf32, #tpu.memory_space<vmem>>, vector<1x1xf32>,
    } else {
    }
    %get3A_30 = arith.constant 0 : index
    %get3A_31 = arith.constant 0 : index
    %get3A_32 = vector.load %arg7[%get3A_30, %get3A_31] : memref<1x1xf32, #tpu.memory_space<vmem>>, vector<1x1xf32>
    %reduce_sum3A = vector.shape_cast %broadcast_in_dim3A : vector<1x2048xf32> to vector<1x1x2048xf32>
    %reduce_sum3A_33 = arith.constant dense<0.000000e+00> : vector<1xf32>
    %reduce_sum3A_34 = vector.multi_reduction <add>, %reduce_sum3A, %reduce_sum3A_33 [1, 2] : vector<1x1x2048xf32> to vector<1xf32>
    %reduce_sum3A_35 = vector.shape_cast %reduce_sum3A_34 : vector<1xf32> to vector<1x1x1xf32>
    %reduce_sum3A_36 = vector.extract %reduce_sum3A_35[0, 0, 0] : f32 from vector<1x1x1xf32>
    %reshape3A_37 = vector.broadcast %reduce_sum3A_36 : f32 to vector<1x1xf32>
    %add3A_38 = arith.addf %get3A_32, %reshape3A_37 : vector<1x1xf32>
    %swap3A_39 = arith.constant 0 : index
    %swap3A_40 = arith.constant 0 : index
    %swap3A_41 = vector.load %arg7[%swap3A_39, %swap3A_40] : memref<1x1xf32, #tpu.memory_space<vmem>>, vector<1x1xf32>
    tpu.vector_store %arg7[%swap3A_39, %swap3A_40], %add3A_38 {strides = array<i32>} : memref<1x1xf32, #tpu.memory_space<vmem>>, vector<1x1xf32>,
    return
  }
  func.func @transform_0(%arg0: i32) -> (i32, i32) {
    %add3A = arith.constant 8 : i32
    %add3A_0 = arith.addi %add3A, %arg0 : i32
    %c0_i32 = arith.constant 0 : i32
    %c0_i32_1 = arith.constant 0 : i32
    return %c0_i32, %add3A_0 : i32, i32
  }
  func.func @transform_1(%arg0: i32) -> (i32, i32) {
    %c0_i32 = arith.constant 0 : i32
    %c0_i32_0 = arith.constant 0 : i32
    %c0_i32_1 = arith.constant 0 : i32
    return %c0_i32, %c0_i32_0 : i32, i32
  }
  func.func @transform_2(%arg0: i32) -> (i32, i32) {
    %c0_i32 = arith.constant 0 : i32
    %c0_i32_0 = arith.constant 0 : i32
    %c0_i32_1 = arith.constant 0 : i32
    return %c0_i32, %c0_i32_0 : i32, i32
  }
  func.func @transform_3(%arg0: i32) -> (i32, i32) {
    %add3A = arith.constant 8 : i32
    %add3A_0 = arith.addi %add3A, %arg0 : i32
    %c0_i32 = arith.constant 0 : i32
    %c0_i32_1 = arith.constant 0 : i32
    return %c0_i32, %add3A_0 : i32, i32
  }
  func.func @transform_4(%arg0: i32) -> (i32, i32) {
    %c0_i32 = arith.constant 0 : i32
    %c0_i32_0 = arith.constant 0 : i32
    return %arg0, %c0_i32 : i32, i32
  }
  func.func @transform_5(%arg0: i32) -> (i32, i32) {
    %c0_i32 = arith.constant 0 : i32
    %c0_i32_0 = arith.constant 0 : i32
    return %arg0, %c0_i32 : i32, i32
  }
  func.func @transform_6(%arg0: i32) -> (i32, i32) {
    %c0_i32 = arith.constant 0 : i32
    %c0_i32_0 = arith.constant 0 : i32
    %c0_i32_1 = arith.constant 0 : i32
    return %c0_i32, %c0_i32_0 : i32, i32
  }
  func.func @transform_7(%arg0: i32) -> (i32, i32) {
    %add3A = arith.constant 0 : i32
    %add3A_0 = arith.addi %add3A, %arg0 : i32
    %c0_i32 = arith.constant 0 : i32
    %c0_i32_1 = arith.constant 0 : i32
    return %c0_i32, %add3A_0 : i32, i32
  }
}

module attributes {stable_mosaic.version = 14 : i64} {
  func.func @_vq_t_body(%arg0: i32, %arg1: memref<64x2048xf32, #tpu.memory_space<vmem>>, %arg2: memref<1024x64xf32, #tpu.memory_space<vmem>>, %arg3: memref<1024x1xf32, #tpu.memory_space<vmem>>, %arg4: memref<1x2048xf32, #tpu.memory_space<vmem>>, %arg5: memref<2048x128xf32, #tpu.memory_space<vmem>>, %arg6: memref<64x32768xf32, #tpu.memory_space<hbm>>, %arg7: memref<16x128xi32, #tpu.memory_space<vmem>>, %arg8: memref<1x1xf32, #tpu.memory_space<vmem>>, %arg9: memref<64x2048xf32, #tpu.memory_space<vmem>>) attributes {dimension_semantics = [#tpu.dimension_semantics<arbitrary>], iteration_bounds = array<i64: 4>, scalar_prefetch = 0 : i64, scratch_operands = 0 : i64, tpu.core_type = #tpu.core_type<tc>, window_params = [{transform_indices = @transform_0, window_bounds = array<i64: 64, 2048>}, {pipeline_mode = #tpu.pipeline_mode<synchronous>, transform_indices = @transform_1, window_bounds = array<i64: 1024, 64>}, {pipeline_mode = #tpu.pipeline_mode<synchronous>, transform_indices = @transform_2, window_bounds = array<i64: 1024, 1>}, {transform_indices = @transform_3, window_bounds = array<i64: 1, 2048>}, {transform_indices = @transform_4, window_bounds = array<i64: 2048, 128>}, {}, {transform_indices = @transform_6, window_bounds = array<i64: 16, 128>}, {pipeline_mode = #tpu.pipeline_mode<synchronous>, transform_indices = @transform_7, window_bounds = array<i64: 1, 1>}, {transform_indices = @transform_8, window_bounds = array<i64: 64, 2048>}]} {
    %get3A = arith.constant 0 : index
    %get3A_0 = arith.constant 0 : index
    %get3A_1 = vector.load %arg5[%get3A, %get3A_0] : memref<2048x128xf32, #tpu.memory_space<vmem>>, vector<2048x128xf32>
    %slice3A = vector.extract_strided_slice %get3A_1 {offsets = [0, 0], sizes = [2048, 64], strides = [1, 1]} : vector<2048x128xf32> to vector<2048x64xf32>
    %transpose3A = tpu.transpose %slice3A, [1, 0] : vector<2048x64xf32> -> vector<64x2048xf32>
    %swap3A = arith.constant 0 : index
    %swap3A_2 = arith.constant 0 : index
    %swap3A_3 = vector.load %arg9[%swap3A, %swap3A_2] : memref<64x2048xf32, #tpu.memory_space<vmem>>, vector<64x2048xf32>
    tpu.vector_store %arg9[%swap3A, %swap3A_2], %transpose3A {strides = array<i32>} : memref<64x2048xf32, #tpu.memory_space<vmem>>, vector<64x2048xf32>,
    %get3A_4 = arith.constant 0 : index
    %get3A_5 = arith.constant 0 : index
    %get3A_6 = vector.load %arg1[%get3A_4, %get3A_5] : memref<64x2048xf32, #tpu.memory_space<vmem>>, vector<64x2048xf32>
    %get3A_7 = arith.constant 0 : index
    %get3A_8 = arith.constant 0 : index
    %get3A_9 = vector.load %arg2[%get3A_7, %get3A_8] : memref<1024x64xf32, #tpu.memory_space<vmem>>, vector<1024x64xf32>
    %get3A_10 = arith.constant 0 : index
    %get3A_11 = arith.constant 0 : index
    %get3A_12 = vector.load %arg3[%get3A_10, %get3A_11] : memref<1024x1xf32, #tpu.memory_space<vmem>>, vector<1024x1xf32>
    %get3A_13 = arith.constant 0 : index
    %get3A_14 = arith.constant 0 : index
    %get3A_15 = vector.load %arg4[%get3A_13, %get3A_14] : memref<1x2048xf32, #tpu.memory_space<vmem>>, vector<1x2048xf32>
    %dot_general3A = arith.constant dense<0.000000e+00> : vector<1024x2048xf32>
    %dot_general3A_16 = tpu.matmul %get3A_9, %get3A_6, %dot_general3A {dimension_numbers = #tpu.dot_dimension_numbers<[1], [0], [0], [1], [0, 0, 1, 1], [], []>, transpose_lhs_hint = false} : vector<1024x64xf32>, vector<64x2048xf32>, vector<1024x2048xf32> -> vector<1024x2048xf32>
    %add3A = vector.broadcast %get3A_15 : vector<1x2048xf32> to vector<1024x2048xf32>
    %add3A_17 = vector.broadcast %get3A_12 : vector<1024x1xf32> to vector<1024x2048xf32>
    %add3A_18 = arith.addf %add3A, %add3A_17 : vector<1024x2048xf32>
    %sub3A = arith.subf %add3A_18, %dot_general3A_16 : vector<1024x2048xf32>
    %reduce_min3A = arith.constant dense<0x7F800000> : vector<2048xf32>
    %reduce_min3A_19 = vector.multi_reduction <minimumf>, %sub3A, %reduce_min3A [0] : vector<1024x2048xf32> to vector<2048xf32>
    %broadcast_in_dim3A = vector.shape_cast %reduce_min3A_19 : vector<2048xf32> to vector<1x2048xf32>
    %iota3A = tpu.iota {dimensions = array<i32: 0>} : vector<1024x2048xi32>
    %eq3A = vector.broadcast %broadcast_in_dim3A : vector<1x2048xf32> to vector<1024x2048xf32>
    %eq3A_20 = arith.cmpf oeq, %sub3A, %eq3A : vector<1024x2048xf32>
    %jit3A = arith.constant 1024 : i32
    %broadcast_in_dim3A_21 = vector.broadcast %jit3A : i32 to vector<1024x2048xi32>
    %select_n3A = arith.select %eq3A_20, %iota3A, %broadcast_in_dim3A_21 : vector<1024x2048xi1>, vector<1024x2048xi32>
    %reduce_min3A_22 = arith.constant dense<2147483647> : vector<2048xi32>
    %reduce_min3A_23 = vector.multi_reduction <minsi>, %select_n3A, %reduce_min3A_22 [0] : vector<1024x2048xi32> to vector<2048xi32>
    %reshape3A = vector.shape_cast %reduce_min3A_23 : vector<2048xi32> to vector<16x128xi32>
    %swap3A_24 = arith.constant 0 : index
    %swap3A_25 = arith.constant 0 : index
    %swap3A_26 = vector.load %arg7[%swap3A_24, %swap3A_25] : memref<16x128xi32, #tpu.memory_space<vmem>>, vector<16x128xi32>
    tpu.vector_store %arg7[%swap3A_24, %swap3A_25], %reshape3A {strides = array<i32>} : memref<16x128xi32, #tpu.memory_space<vmem>>, vector<16x128xi32>,
    %eq3A_27 = arith.constant 0 : i32
    %eq3A_28 = arith.cmpi eq, %arg0, %eq3A_27 : i32
    %convert_element_type3A = arith.extui %eq3A_28 : i1 to i32
    %cond3A = arith.constant 0 : i32
    %cond3A_29 = arith.cmpi ne, %convert_element_type3A, %cond3A : i32
    scf.if %cond3A_29 {
      %broadcast_in_dim3A_42 = arith.constant 0.000000e+00 : f32
      %broadcast_in_dim3A_43 = vector.broadcast %broadcast_in_dim3A_42 : f32 to vector<1x1xf32>
      %swap3A_44 = arith.constant 0 : index
      %swap3A_45 = arith.constant 0 : index
      %swap3A_46 = vector.load %arg8[%swap3A_44, %swap3A_45] : memref<1x1xf32, #tpu.memory_space<vmem>>, vector<1x1xf32>
      tpu.vector_store %arg8[%swap3A_44, %swap3A_45], %broadcast_in_dim3A_43 {strides = array<i32>} : memref<1x1xf32, #tpu.memory_space<vmem>>, vector<1x1xf32>,
    } else {
    }
    %get3A_30 = arith.constant 0 : index
    %get3A_31 = arith.constant 0 : index
    %get3A_32 = vector.load %arg8[%get3A_30, %get3A_31] : memref<1x1xf32, #tpu.memory_space<vmem>>, vector<1x1xf32>
    %reduce_sum3A = vector.shape_cast %broadcast_in_dim3A : vector<1x2048xf32> to vector<1x1x2048xf32>
    %reduce_sum3A_33 = arith.constant dense<0.000000e+00> : vector<1xf32>
    %reduce_sum3A_34 = vector.multi_reduction <add>, %reduce_sum3A, %reduce_sum3A_33 [1, 2] : vector<1x1x2048xf32> to vector<1xf32>
    %reduce_sum3A_35 = vector.shape_cast %reduce_sum3A_34 : vector<1xf32> to vector<1x1x1xf32>
    %reduce_sum3A_36 = vector.extract %reduce_sum3A_35[0, 0, 0] : f32 from vector<1x1x1xf32>
    %reshape3A_37 = vector.broadcast %reduce_sum3A_36 : f32 to vector<1x1xf32>
    %add3A_38 = arith.addf %get3A_32, %reshape3A_37 : vector<1x1xf32>
    %swap3A_39 = arith.constant 0 : index
    %swap3A_40 = arith.constant 0 : index
    %swap3A_41 = vector.load %arg8[%swap3A_39, %swap3A_40] : memref<1x1xf32, #tpu.memory_space<vmem>>, vector<1x1xf32>
    tpu.vector_store %arg8[%swap3A_39, %swap3A_40], %add3A_38 {strides = array<i32>} : memref<1x1xf32, #tpu.memory_space<vmem>>, vector<1x1xf32>,
    return
  }
  func.func @transform_0(%arg0: i32) -> (i32, i32) {
    %add3A = arith.constant 12 : i32
    %add3A_0 = arith.addi %add3A, %arg0 : i32
    %c0_i32 = arith.constant 0 : i32
    %c0_i32_1 = arith.constant 0 : i32
    return %c0_i32, %add3A_0 : i32, i32
  }
  func.func @transform_1(%arg0: i32) -> (i32, i32) {
    %c0_i32 = arith.constant 0 : i32
    %c0_i32_0 = arith.constant 0 : i32
    %c0_i32_1 = arith.constant 0 : i32
    return %c0_i32, %c0_i32_0 : i32, i32
  }
  func.func @transform_2(%arg0: i32) -> (i32, i32) {
    %c0_i32 = arith.constant 0 : i32
    %c0_i32_0 = arith.constant 0 : i32
    %c0_i32_1 = arith.constant 0 : i32
    return %c0_i32, %c0_i32_0 : i32, i32
  }
  func.func @transform_3(%arg0: i32) -> (i32, i32) {
    %add3A = arith.constant 12 : i32
    %add3A_0 = arith.addi %add3A, %arg0 : i32
    %c0_i32 = arith.constant 0 : i32
    %c0_i32_1 = arith.constant 0 : i32
    return %c0_i32, %add3A_0 : i32, i32
  }
  func.func @transform_4(%arg0: i32) -> (i32, i32) {
    %c0_i32 = arith.constant 0 : i32
    %c0_i32_0 = arith.constant 0 : i32
    return %arg0, %c0_i32 : i32, i32
  }
  func.func @transform_6(%arg0: i32) -> (i32, i32) {
    %c0_i32 = arith.constant 0 : i32
    %c0_i32_0 = arith.constant 0 : i32
    return %arg0, %c0_i32 : i32, i32
  }
  func.func @transform_7(%arg0: i32) -> (i32, i32) {
    %c0_i32 = arith.constant 0 : i32
    %c0_i32_0 = arith.constant 0 : i32
    %c0_i32_1 = arith.constant 0 : i32
    return %c0_i32, %c0_i32_0 : i32, i32
  }
  func.func @transform_8(%arg0: i32) -> (i32, i32) {
    %add3A = arith.constant 4 : i32
    %add3A_0 = arith.addi %add3A, %arg0 : i32
    %c0_i32 = arith.constant 0 : i32
    %c0_i32_1 = arith.constant 0 : i32
    return %c0_i32, %add3A_0 : i32, i32
  }
}

module attributes {stable_mosaic.version = 14 : i64} {
  func.func @_transpose_body(%arg0: i32, %arg1: memref<2048x128xf32, #tpu.memory_space<vmem>>, %arg2: memref<64x32768xf32, #tpu.memory_space<hbm>>, %arg3: memref<64x2048xf32, #tpu.memory_space<vmem>>) attributes {dimension_semantics = [#tpu.dimension_semantics<arbitrary>], iteration_bounds = array<i64: 4>, scalar_prefetch = 0 : i64, scratch_operands = 0 : i64, tpu.core_type = #tpu.core_type<tc>, window_params = [{transform_indices = @transform_0, window_bounds = array<i64: 2048, 128>}, {}, {transform_indices = @transform_2, window_bounds = array<i64: 64, 2048>}]} {
    %get3A = arith.constant 0 : index
    %get3A_0 = arith.constant 0 : index
    %get3A_1 = vector.load %arg1[%get3A, %get3A_0] : memref<2048x128xf32, #tpu.memory_space<vmem>>, vector<2048x128xf32>
    %slice3A = vector.extract_strided_slice %get3A_1 {offsets = [0, 0], sizes = [2048, 64], strides = [1, 1]} : vector<2048x128xf32> to vector<2048x64xf32>
    %transpose3A = tpu.transpose %slice3A, [1, 0] : vector<2048x64xf32> -> vector<64x2048xf32>
    %swap3A = arith.constant 0 : index
    %swap3A_2 = arith.constant 0 : index
    %swap3A_3 = vector.load %arg3[%swap3A, %swap3A_2] : memref<64x2048xf32, #tpu.memory_space<vmem>>, vector<64x2048xf32>
    tpu.vector_store %arg3[%swap3A, %swap3A_2], %transpose3A {strides = array<i32>} : memref<64x2048xf32, #tpu.memory_space<vmem>>, vector<64x2048xf32>,
    return
  }
  func.func @transform_0(%arg0: i32) -> (i32, i32) {
    %c0_i32 = arith.constant 0 : i32
    %c0_i32_0 = arith.constant 0 : i32
    return %arg0, %c0_i32 : i32, i32
  }
  func.func @transform_2(%arg0: i32) -> (i32, i32) {
    %add3A = arith.constant 8 : i32
    %add3A_0 = arith.addi %add3A, %arg0 : i32
    %c0_i32 = arith.constant 0 : i32
    %c0_i32_1 = arith.constant 0 : i32
    return %c0_i32, %add3A_0 : i32, i32
  }
}

module attributes {stable_mosaic.version = 14 : i64} {
  func.func @_transpose_body(%arg0: i32, %arg1: memref<2048x128xf32, #tpu.memory_space<vmem>>, %arg2: memref<64x32768xf32, #tpu.memory_space<hbm>>, %arg3: memref<64x2048xf32, #tpu.memory_space<vmem>>) attributes {dimension_semantics = [#tpu.dimension_semantics<arbitrary>], iteration_bounds = array<i64: 4>, scalar_prefetch = 0 : i64, scratch_operands = 0 : i64, tpu.core_type = #tpu.core_type<tc>, window_params = [{transform_indices = @transform_0, window_bounds = array<i64: 2048, 128>}, {}, {transform_indices = @transform_2, window_bounds = array<i64: 64, 2048>}]} {
    %get3A = arith.constant 0 : index
    %get3A_0 = arith.constant 0 : index
    %get3A_1 = vector.load %arg1[%get3A, %get3A_0] : memref<2048x128xf32, #tpu.memory_space<vmem>>, vector<2048x128xf32>
    %slice3A = vector.extract_strided_slice %get3A_1 {offsets = [0, 0], sizes = [2048, 64], strides = [1, 1]} : vector<2048x128xf32> to vector<2048x64xf32>
    %transpose3A = tpu.transpose %slice3A, [1, 0] : vector<2048x64xf32> -> vector<64x2048xf32>
    %swap3A = arith.constant 0 : index
    %swap3A_2 = arith.constant 0 : index
    %swap3A_3 = vector.load %arg3[%swap3A, %swap3A_2] : memref<64x2048xf32, #tpu.memory_space<vmem>>, vector<64x2048xf32>
    tpu.vector_store %arg3[%swap3A, %swap3A_2], %transpose3A {strides = array<i32>} : memref<64x2048xf32, #tpu.memory_space<vmem>>, vector<64x2048xf32>,
    return
  }
  func.func @transform_0(%arg0: i32) -> (i32, i32) {
    %c0_i32 = arith.constant 0 : i32
    %c0_i32_0 = arith.constant 0 : i32
    return %arg0, %c0_i32 : i32, i32
  }
  func.func @transform_2(%arg0: i32) -> (i32, i32) {
    %add3A = arith.constant 12 : i32
    %add3A_0 = arith.addi %add3A, %arg0 : i32
    %c0_i32 = arith.constant 0 : i32
    %c0_i32_1 = arith.constant 0 : i32
    return %c0_i32, %add3A_0 : i32, i32
  }
}

</mosaic_0001>

<sc_bundles>
// kernel: kernel.12.cloned.1.call-start
scs
__scs_entry_jumppad:
0x0: {  	(pc) =	sbr.rel $0x88, $3  }
0x1: {  	(tag) =	ssettag $0x0;
	lr =	simm.s32 $0x1  }
0x2: {  	[smem:$0x3F9F] =	sst lr;
	_ =	strace $0xD0000000  }
0x3: {  	_ = 	snop  }
0x4: {  	_ = 	snop  }
0x5: {  	_ = 	snop  }
0x6: {  	_ = 	snop  }
0x7: {  	_ = 	snop  }
__scs_overlays_trampoline_lowered:
0x8: {  	[smem:$0x3FAE] =	sst s0  }
0x9: {  	[smem:$0x3FAF] =	sst s1  }
0xa: {  	[smem:$0x3FB0] =	sst s2  }
0xb: {  	[smem:$0x3FB1] =	sst s3  }
0xc: {  	[smem:$0x3FB2] =	sst s4  }
0xd: {  	[smem:$0x3FB3] =	sst s5  }
0xe: {  	[smem:$0x3FB4] =	sst s6  }
0xf: {  	[smem:$0x3FB5] =	sst s7  }
0x10: {  	[smem:$0x3FB6] =	sst s8  }
0x11: {  	[smem:$0x3FB7] =	sst s9;
	s0 =	simm.s32 @!p0 $0x0  }
0x12: {  	s1 =	sld [smem:$0x3F9D];
	s0 =	simm.s32 @p0 $0x1  }
0x13: {  	[smem:$0x3FB8] =	sst s0;
	s0 =	simm.s32 @!p1 $0x0  }
0x14: {  	s2 =	sld [smem:$0x3F9C];
	s0 =	simm.s32 @p1 $0x1  }
0x15: {  	[smem:$0x3FB9] =	sst s0;
	s0 =	simm.s32 @!p2 $0x0  }
0x16: {  	s3 =	sld [smem:$0x3FDB];
	s0 =	simm.s32 @p2 $0x1  }
0x17: {  	s4 =	simm.s32 $0x1BF5;
	[smem:$0x3FBB] =	sst s0  }
0x18: {  	s0 =	sld [smem:$0x3F9E];
	_ =	swait.ge [sflag:s4], $0x0  }
0x19: {  	s7 =	sld [smem:$0x3F9F]  }
0x1a: {  	s8 =	sadd.s32 $0xFFFFE003, lr  }
0x1b: {  	s9 =	sadd.s32 $0xFFFFFEF7, lr;
	s5 =	simm.s32 $0xFFFFFFFF;
	p2 =	slt.u32 s8, $0xFFFFF086  }
0x1c: {  	p1 =	slt.u32 s9, $0xF7A;
	s5 =	simm.s32 @!p2 $0x0  }
0x1d: {  	s5 =	simm.s32 @p1 $0x1;
	p0 =	seq.s32 s7, s2  }
0x1e: {  	s7 =	smul.u32 @!p0 $0xF7A, s2;
	p2 =	seq.s32 @!p0 s5, $0x0  }
0x1f: {  	s9 =	smul.u32 $0xF7A, s1;
	s8 =	simm.s32 @!p0 $0x1BF5;
	p2 =	por !p2, p0  }
0x20: {  	[sflag:s8] =	ssyncset.s32 @!p0 $0xFFFFF086;
	s6 =	sadd.s32 @!p0 s3, s7;
	s7 =	simm.s32 @!p0 $0x108  }
0x21: {  	s3 =	sadd.s32 s3, s9;
	s6 =	sadd.s32 @!p0 $0x88, s6;
	s7 =	simm.s32 @p2 $0x1082  }
0x22: {  	[simem:s7], [sflag:s8] =	dma.local @!p0 [hbm:s6], $0xF7A  }
0x23: {  	s9 =	sor.u32 $0xD0000000, s2;
	s6 =	simm.s32 $0x108;
	_ =	swait.ge @!p0 [sflag:s8], $0x0  }
0x24: {  	s3 =	sadd.s32 $0x88, s3;
	s6 =	simm.s32 @!p1 $0x1082;
	[sflag:s4] =	ssyncset.s32 $0xFFFFF086  }
0x25: {  	[simem:s6], [sflag:s4] =	dma.local [hbm:s3], $0xF7A  }
0x26: {  	[smem:$0x3F9F] =	sst s1;
	(tag) =	ssettag s2;
	_ =	strace s9  }
0x27: {  	s1 =	sld [smem:$0x3FAF]  }
0x28: {  	s2 =	sld [smem:$0x3FB0]  }
0x29: {  	s4 =	sld [smem:$0x3FB2]  }
0x2a: {  	p0 =	seq.s32 s5, $0x0;
	s5 =	sld [smem:$0x3FB3]  }
0x2b: {  	s6 =	sld [smem:$0x3FB4]  }
0x2c: {  	s7 =	sld [smem:$0x3FB5]  }
0x2d: {  	s3 =	simm.s32 $0x108;
	s8 =	sld [smem:$0x3FB6]  }
0x2e: {  	s3 =	simm.s32 @!p0 $0x1082;
	s9 =	sld [smem:$0x3FB7]  }
0x2f: {  	lr =	sadd.s32 s0, s3;
	s0 =	sld [smem:$0x3FAE]  }
0x30: {  	s3 =	sld [smem:$0x3FB1]  }
0x31: {  	[smem:$0x3FBA] =	sst s10  }
0x32: {  	s10 =	sld [smem:$0x3FB8];
	_ =	sdelay $0x3  }
0x33: {  	p0 =	seq.s32 s10, $0x1;
	s10 =	sld [smem:$0x3FBA];
	_ =	sdelay $0x3  }
0x34: {  	[smem:$0x3FBA] =	sst s10  }
0x35: {  	s10 =	sld [smem:$0x3FB9];
	_ =	sdelay $0x3  }
0x36: {  	p1 =	seq.s32 s10, $0x1;
	s10 =	sld [smem:$0x3FBA];
	_ =	sdelay $0x3  }
0x37: {  	[smem:$0x3FBA] =	sst s10  }
0x38: {  	s10 =	sld [smem:$0x3FBB]  }
0x39: {  	_ = 	snop;
	(pc) =	sbr.ind lr, $3  }
0x3a: {  	_ = 	snop  }
0x3b: {  	_ = 	snop  }
0x3c: {  	p2 =	seq.s32 s10, $0x1;
	s10 =	sld [smem:$0x3FBA]  }
0x3d: {  	_ =	shalt  }
0x3e: {  	_ =	shalt  }
0x3f: {  	_ =	shalt  }
0x40: {  	_ =	shalt  }
0x41: {  	_ =	shalt  }
0x42: {  	_ =	shalt  }
0x43: {  	_ =	shalt  }
0x44: {  	_ =	shalt  }
0x45: {  	_ =	shalt  }
0x46: {  	_ =	shalt  }
0x47: {  	_ =	shalt  }
0x48: {  	_ =	shalt  }
0x49: {  	_ =	shalt  }
0x4a: {  	_ =	shalt  }
0x4b: {  	_ =	shalt  }
0x4c: {  	_ =	shalt  }
0x4d: {  	_ =	shalt  }
0x4e: {  	_ =	shalt  }
0x4f: {  	_ =	shalt  }
0x50: {  	_ =	shalt  }
0x51: {  	_ =	shalt  }
0x52: {  	_ =	shalt  }
0x53: {  	_ =	shalt  }
0x54: {  	_ =	shalt  }
0x55: {  	_ =	shalt  }
0x56: {  	_ =	shalt  }
0x57: {  	_ =	shalt  }
0x58: {  	_ =	shalt  }
0x59: {  	_ =	shalt  }
0x5a: {  	_ =	shalt  }
0x5b: {  	_ =	shalt  }
0x5c: {  	_ =	shalt  }
0x5d: {  	_ =	shalt  }
0x5e: {  	_ =	shalt  }
0x5f: {  	_ =	shalt  }
0x60: {  	_ =	shalt  }
0x61: {  	_ =	shalt  }
0x62: {  	_ =	shalt  }
0x63: {  	_ =	shalt  }
0x64: {  	_ =	shalt  }
0x65: {  	_ =	shalt  }
0x66: {  	_ =	shalt  }
0x67: {  	_ =	shalt  }
0x68: {  	_ =	shalt  }
0x69: {  	_ =	shalt  }
0x6a: {  	_ =	shalt  }
0x6b: {  	_ =	shalt  }
0x6c: {  	_ =	shalt  }
0x6d: {  	_ =	shalt  }
0x6e: {  	_ =	shalt  }
0x6f: {  	_ =	shalt  }
0x70: {  	_ =	shalt  }
0x71: {  	_ =	shalt  }
0x72: {  	_ =	shalt  }
0x73: {  	_ =	shalt  }
0x74: {  	_ =	shalt  }
0x75: {  	_ =	shalt  }
0x76: {  	_ =	shalt  }
0x77: {  	_ =	shalt  }
0x78: {  	_ =	shalt  }
0x79: {  	_ =	shalt  }
0x7a: {  	_ =	shalt  }
0x7b: {  	_ =	shalt  }
0x7c: {  	_ =	shalt  }
0x7d: {  	_ =	shalt  }
0x7e: {  	_ =	shalt  }
0x7f: {  	_ =	shalt  }
0x80: {  	_ =	shalt  }
0x81: {  	_ =	shalt  }
0x82: {  	_ =	shalt  }
0x83: {  	_ =	shalt  }
0x84: {  	_ =	shalt  }
0x85: {  	_ =	shalt  }
0x86: {  	_ =	shalt  }
0x87: {  	_ =	shalt  }
.Lfunc_end0:
.L_simem_size_0:
called_computation_lowered:
.L_overlay_start_0:
0x88: {  	s2 =	sld [smem:$0x3FD9]  }
0x89: {  	s3 =	sld [smem:$0x3FFE];
	_ =	sdelay $0x1  }
0x8a: {  	s1 =	srdreg.scid  }
0x8b: {  	s0 =	sand.u32 $0x1, s1  }
0x8c: {  	s14 =	sshll.u32 s0, $0xA;
	s2 =	sadd.s32 s3, s2  }
0x8d: {  	s2 =	sadd.s32 s2, s14  }
0x8e: {  	[smem:$0x3FC6] =	sst s2  }
0x8f: {  	_ = 	snop  }
0x90: {  	s2 =	sld [smem:$0x3FD0];
	_ =	sdelay $0x2  }
0x91: {  	s15 =	simm.s32 $0xB;
	s4 =	simm.s32 $0x10  }
0x92: {  	[smem:s4], [sflag:s15] =	dma.local [hbm:s2], $0x1  }
0x93: {  	_ =	swait.eq [sflag:s15], $0x1  }
0x94: {  	[sflag:s15] =	ssyncset.done $0x0  }
0x95: {  	[sflag:s15] =	ssyncadd.s32 $0xFFFFFFFF  }
0x96: {  	s16 =	sld [smem:$0x10];
	(tm) =	ssettm $0x1  }
0x97: {  	s17 =	sld [smem:$0x3FFB];
	_ =	sdelay $0x3  }
0x98: {  	_ =	strace s17  }
0x99: {  	s3 =	sld [smem:$0x3FFC];
	_ =	sdelay $0x3  }
0x9a: {  	_ =	strace s3  }
0x9b: {  	s3 =	sld [smem:$0x3FFD];
	_ =	sdelay $0x3  }
0x9c: {  	_ =	strace s3  }
0x9d: {  	_ =	strace $0x8FFFFFFF  }
0x9e: {  	s18 =	sld [smem:$0x3FDB];
	_ =	sdelay $0x1  }
0x9f: {  	s19 =	simm.s32 $_scs_section_size  }
0xa0: {  	s5 =	simm.s32 $_size__tile_overlayer_lowered;
	s6 =	simm.s32 $_tile_overlayer_lowered  }
0xa1: {  	s22 =	simm.s32 $0x1BFF;
	s21 =	sshll.u32 s6, $0x1;
	s3 =	sadd.s32 s19, s18  }
0xa2: {  	s7 =	simm.s32 $0x0;
	s20 =	sshll.u32 s5, $0x1;
	s5 =	sadd.s32 s21, s3  }
0xa3: {  	[timem:s7], [sflag:s22] =	dma.local [hbm:s5], s20  }
0xa4: {  	_ =	swait.ge [sflag:s22], s20  }
0xa5: {  	s4 =	ssub.s32 $0x0, s20;
	[sflag:s22] =	ssyncset.done $0x0  }
0xa6: {  	[sflag:s22] =	ssyncadd.s32 s4;
	_ =	sdelay $0x1  }
0xa7: {  	s23 =	simm.s32 $0x1B8B  }
0xa8: {  	_ =	swait.ge [sflag:s23], $0x1  }
0xa9: {  	[sflag:s23] =	ssyncset.done $0x0  }
0xaa: {  	s25 =	simm.s32 $0x1B8E;
	s24 =	sld [smem:$0x3FFE];
	[sflag:s23] =	ssyncadd.s32 $0xFFFFFFFF  }
0xab: {  	s26 =	simm.s32 $execute0_lowered;
	[smem:$0x3FD2] =	sst s25  }
0xac: {  	s5 =	sshll.u32 s26, $0x1;
	_ =	strace $0x80000046;
	[dreg:$0x1] =	wrdreg $0xFFFFFFFF  }
0xad: {  	s28 =	simm.s32 $_size_execute0_lowered;
	s3 =	sadd.s32 s3, s5;
	[dreg:$0x0] =	wrdreg $0x0  }
0xae: {  	s5 =	sshll.u32 s28, $0x1;
	[dreg:$0x2] =	wrdreg s3  }
0xaf: {  	[dreg:$0x3] =	wrdreg s5  }
0xb0: {  	[dreg:$0x4] =	wrdreg $0xC0  }
0xb1: {  	_ =	task [dreg:s7], $0x5FFFF  }
0xb2: {  	[dreg:$0x1] =	wrdreg $0xFFFFFFFF  }
0xb3: {  	[dreg:$0x0] =	wrdreg $0x60  }
0xb4: {  	[dreg:$0x2] =	wrdreg s24  }
0xb5: {  	[dreg:$0x3] =	wrdreg s16  }
0xb6: {  	[dreg:$0x4] =	wrdreg $0xA  }
0xb7: {  	_ =	task.clear_ibuf [dreg:s7], $0x5FFFF;
	_ =	strace $0x90000046  }
0xb8: {  	s29 =	simm.s32 $0xA;
	_ =	strace $0x80000048  }
0xb9: {  	_ =	swait.ge [sflag:s29], $0x1  }
0xba: {  	[sflag:s29] =	ssyncadd.s32 $0xFFFFFFFF  }
0xbb: {  	_ =	strace $0x90000048  }
0xbc: {  	_ =	sfence  }
0xbd: {  	s30 =	sld [smem:$0x0];
	_ =	sdelay $0x2  }
0xbe: {  	s31 =	sshll.u32 s1, $0xD;
	s1 =	sshrl.u32 s1, $0x2  }
0xbf: {  	s3 =	sand.u32 $0x4000, s31;
	s1 =	sadd.s32 s1, s30  }
0xc0: {  	s0 =	sor.u32 s3, s0;
	s1 =	sshll.u32 s1, $0x11  }
0xc1: {  	s0 =	sor.u32 s1, s0  }
0xc2: {  	s0 =	sadd.s32 $0x8F2B, s0  }
0xc3: {  	[sflag:s0] =	ssyncadd.remote.s32 $0x1  }
0xc4: {  	_ =	sfence.sel $0xFFFF  }
0xc5: {  	[dreg:$0x0] =	wrdreg $0xFFFFFFFF;
	(pc) =	sbr.abs _section_cstart, $3  }
0xc6: {  	[dreg:$0x1] =	wrdreg $0xFFFFFFFF  }
0xc7: {  	_ =	task.clear_ibuf [dreg:s7], $0x2FFFF;
	_ =	strace $0x9FFFFFFF  }
0xc8: {  	(tm) =	ssettm $0x7FFFFFFF  }
0xc9: {  	_ =	shalt  }
tec
execute0_lowered:
.L_overlay_start_1:
0x0: {  	(tag) =	ssettag $0x1  }
0x1: {  	s1 =	srdreg.scid;
	s0 =	stileid.u32  }
0x2: {  	s5 =	rddreg [dreg:$0x0];
	s10 =	sand.u32 $0x1, s1;
	s29 =	sshll.u32 s0, $0x1  }
0x3: {  	s11 =	rddreg [dreg:$0x1];
	s12 =	sor.u32 s10, s29  }
0x4: {  	s2 =	simm.s32 $0x0;
	s1 =	rddreg [dreg:$0x2];
	s3 =	sshll.u32 s12, $0x5  }
0x5: {  	[smem:$0x7FF] =	sst s2;
	s3 =	sadd.s32 s3, s5  }
0x6: {  	_ =	strace $0x80000047;
	s4 =	sadd.s32 $0x6A00, s3;
	s3 =	simm.s32 $0x2  }
0x7: {  	[tilespmem:s2], [sflag:$0x2] =	stream.linear.gather [hbm4b:s4+s2], $0x100, $0x38;
	[tilespmem:$0x8100] =	vst v63  }
0x8: {  	_ =	swait.ge [sflag:s3], $0x100  }
0x9: {  	s6 =	simm.s32 $0x80;
	[sflag:s3] =	ssyncset.done $0x0  }
0xa: {  	s7 =	simm.s32 $0x100;
	s5 =	sadd.s32 $0x2800, s5;
	[sflag:s3] =	ssyncadd.s32 $0xFFFFFF00  }
0xb: {  	[tilespmem:s7], [sflag:$0x1] =	stream.indirect.gather [hbm4b:s5+s6], $0x80, s2, s6, $0xb8;
	[tilespmem:$0x8100] =	vst v63  }
0xc: {  	s8 =	simm.s32 $0x4100;
	s9 =	simm.s32 $0x1;
	s10 =	ssub.s32 $0x2, s10  }
0xd: {  	[tilespmem:s8], [sflag:$0x1] =	stream.indirect.gather [hbm4b:s5+s6], $0x80, s6, s6, $0xb8;
	[tilespmem:$0x8100] =	vst v63  }
0xe: {  	s13 =	sshrl.u32 s10, $0x1;
	_ =	swait.ge [sflag:s9], $0x4000  }
0xf: {  	s13 =	ssub.s32 s10, s13;
	[sflag:s9] =	ssyncset.done $0x0  }
0x10: {  	s31 =	smax.u32 s13, $0x1;
	[sflag:s9] =	ssyncadd.s32 $0xFFFFC000  }
0x11: {  	p0 =	sne.s32 s31, $0x1;
	_ =	swait.ge [sflag:s9], $0x4000  }
.Ltmp0:
0x12: {  	s30 =	sshll.u32 s12, $0xC;
	[sflag:s9] =	ssyncset.done $0x0;
	(pc) =	sbr.rel @!p0 .LBB2_2-.Ltmp0, $4  }
0x13: {  	s10 =	sadd.s32 s11, s30;
	[sflag:s9] =	ssyncadd.s32 $0xFFFFC000  }
0x14: {  	[hbm4b:s10+s2] =	stream.linear.scatter [tilespmem:s7], [sflag:$0x2], $0x8000, $0x38;
	[tilespmem:$0x8100] =	vst v63  }
0x15: {  	_ =	swait.ge [sflag:s3], $0x8000  }
0x16: {  	s11 =	sadd.s32 $0xFFFFFFFF, s31;
	[sflag:s3] =	ssyncset.done $0x0  }
.LBB2_1:
0x17: {  	p0 =	sne.s32 s11, $0x1;
	s11 =	sadd.s32 $0xFFFFFFFF, s11;
	[sflag:s3] =	ssyncadd.s32 $0xFFFF8000  }
0x18: {  	[tilespmem:s2], [sflag:$0x2] =	stream.linear.gather [hbm4b:s4+s2], $0x100, $0x38;
	[tilespmem:$0x8100] =	vst v63  }
0x19: {  	_ =	swait.ge [sflag:s3], $0x100  }
0x1a: {  	[sflag:s3] =	ssyncset.done $0x0  }
0x1b: {  	[sflag:s3] =	ssyncadd.s32 $0xFFFFFF00  }
0x1c: {  	[tilespmem:s7], [sflag:$0x1] =	stream.indirect.gather [hbm4b:s5+s6], $0x80, s2, s6, $0xb8;
	[tilespmem:$0x8100] =	vst v63  }
0x1d: {  	_ = 	snop  }
0x1e: {  	[tilespmem:s8], [sflag:$0x1] =	stream.indirect.gather [hbm4b:s5+s6], $0x80, s6, s6, $0xb8;
	[tilespmem:$0x8100] =	vst v63  }
0x1f: {  	_ =	swait.ge [sflag:s9], $0x4000  }
0x20: {  	[sflag:s9] =	ssyncset.done $0x0  }
0x21: {  	[sflag:s9] =	ssyncadd.s32 $0xFFFFC000  }
0x22: {  	_ =	swait.ge [sflag:s9], $0x4000  }
.Ltmp1:
0x23: {  	[sflag:s9] =	ssyncset.done $0x0;
	(pc) =	sbr.rel @p0 .LBB2_1-.Ltmp1, $4  }
0x24: {  	[sflag:s9] =	ssyncadd.s32 $0xFFFFC000  }
0x25: {  	[hbm4b:s10+s2] =	stream.linear.scatter [tilespmem:s7], [sflag:$0x2], $0x8000, $0x38;
	[tilespmem:$0x8100] =	vst v63  }
0x26: {  	_ =	swait.ge [sflag:s3], $0x8000  }
0x27: {  	[sflag:s3] =	ssyncset.done $0x0  }
.LBB2_2:
0x28: {  	[sflag:s3] =	ssyncadd.s32 $0xFFFF8000  }
0x29: {  	_ =	sfence.sel $0x180000  }
0x2a: {  	[bflag:$0x0] =	sbarrier.arrive $0xFFFF  }
0x2b: {  	p0 =	sne.s32 s0, $0x0;
	_ =	strace $0x90000047  }
0x2c: {  	s0 =	sadd.s32 @!p0 $0x100000, s1;
	[bflag:$0x2] =	sbarrier.arrive $0xFFFF  }
0x2d: {  	[sflag:s0] =	ssyncadd.tile.s32 @!p0 $0x1;
	_ =	shalt  }
.Lfunc_end2:
_tile_overlayer_lowered:
.L_overlay_start_2:
0x2e: {  	(tag) =	ssettag $0x2  }
0x2f: {  	s0 =	rddreg [dreg:$0x0];
	s2 =	stileid.u32  }
0x30: {  	s1 =	rddreg [dreg:$0x1];
	p0 =	sne.s32 s2, $0x0  }
0x31: {  	s3 =	rddreg [dreg:$0x2];
	[bflag:$0x3] =	sbarrier.arrive $0xFFFF;
	s2 =	simm.s32 @!p0 $0x1C02  }
0x32: {  	[timem:s3], [sflag:s2] =	dma.local @!p0 [hbm:s0], s1  }
0x33: {  	s0 =	simm.s32 @!p0 $0x2  }
0x34: {  	_ =	swait.ge @!p0 [sflag:s0], s1  }
0x35: {  	s1 =	ssub.s32 @!p0 $0x0, s1;
	[sflag:s0] =	ssyncset.done @!p0 $0x0  }
0x36: {  	[sflag:s0] =	ssyncadd.s32 @!p0 s1  }
0x37: {  	[bflag:$0x3] =	sbarrier.arrive $0xFFFF  }
0x38: {  	_ =	shalt  }

// kernel: kernel.15.cloned.1.call-start
scs
__scs_entry_jumppad:
0x0: {  	(pc) =	sbr.rel $0x88, $3  }
0x1: {  	(tag) =	ssettag $0x0;
	lr =	simm.s32 $0x1  }
0x2: {  	[smem:$0x3F9F] =	sst lr;
	_ =	strace $0xD0000000  }
0x3: {  	_ = 	snop  }
0x4: {  	_ = 	snop  }
0x5: {  	_ = 	snop  }
0x6: {  	_ = 	snop  }
0x7: {  	_ = 	snop  }
__scs_overlays_trampoline_lowered:
0x8: {  	[smem:$0x3FAE] =	sst s0  }
0x9: {  	[smem:$0x3FAF] =	sst s1  }
0xa: {  	[smem:$0x3FB0] =	sst s2  }
0xb: {  	[smem:$0x3FB1] =	sst s3  }
0xc: {  	[smem:$0x3FB2] =	sst s4  }
0xd: {  	[smem:$0x3FB3] =	sst s5  }
0xe: {  	[smem:$0x3FB4] =	sst s6  }
0xf: {  	[smem:$0x3FB5] =	sst s7  }
0x10: {  	[smem:$0x3FB6] =	sst s8  }
0x11: {  	[smem:$0x3FB7] =	sst s9;
	s0 =	simm.s32 @!p0 $0x0  }
0x12: {  	s1 =	sld [smem:$0x3F9D];
	s0 =	simm.s32 @p0 $0x1  }
0x13: {  	[smem:$0x3FB8] =	sst s0;
	s0 =	simm.s32 @!p1 $0x0  }
0x14: {  	s2 =	sld [smem:$0x3F9C];
	s0 =	simm.s32 @p1 $0x1  }
0x15: {  	[smem:$0x3FB9] =	sst s0;
	s0 =	simm.s32 @!p2 $0x0  }
0x16: {  	s3 =	sld [smem:$0x3FDB];
	s0 =	simm.s32 @p2 $0x1  }
0x17: {  	s4 =	simm.s32 $0x1BF5;
	[smem:$0x3FBB] =	sst s0  }
0x18: {  	s0 =	sld [smem:$0x3F9E];
	_ =	swait.ge [sflag:s4], $0x0  }
0x19: {  	s7 =	sld [smem:$0x3F9F]  }
0x1a: {  	s8 =	sadd.s32 $0xFFFFE003, lr  }
0x1b: {  	s9 =	sadd.s32 $0xFFFFFEF7, lr;
	s5 =	simm.s32 $0xFFFFFFFF;
	p2 =	slt.u32 s8, $0xFFFFF086  }
0x1c: {  	p1 =	slt.u32 s9, $0xF7A;
	s5 =	simm.s32 @!p2 $0x0  }
0x1d: {  	s5 =	simm.s32 @p1 $0x1;
	p0 =	seq.s32 s7, s2  }
0x1e: {  	s7 =	smul.u32 @!p0 $0xF7A, s2;
	p2 =	seq.s32 @!p0 s5, $0x0  }
0x1f: {  	s9 =	smul.u32 $0xF7A, s1;
	s8 =	simm.s32 @!p0 $0x1BF5;
	p2 =	por !p2, p0  }
0x20: {  	[sflag:s8] =	ssyncset.s32 @!p0 $0xFFFFF086;
	s6 =	sadd.s32 @!p0 s3, s7;
	s7 =	simm.s32 @!p0 $0x108  }
0x21: {  	s3 =	sadd.s32 s3, s9;
	s6 =	sadd.s32 @!p0 $0x88, s6;
	s7 =	simm.s32 @p2 $0x1082  }
0x22: {  	[simem:s7], [sflag:s8] =	dma.local @!p0 [hbm:s6], $0xF7A  }
0x23: {  	s9 =	sor.u32 $0xD0000000, s2;
	s6 =	simm.s32 $0x108;
	_ =	swait.ge @!p0 [sflag:s8], $0x0  }
0x24: {  	s3 =	sadd.s32 $0x88, s3;
	s6 =	simm.s32 @!p1 $0x1082;
	[sflag:s4] =	ssyncset.s32 $0xFFFFF086  }
0x25: {  	[simem:s6], [sflag:s4] =	dma.local [hbm:s3], $0xF7A  }
0x26: {  	[smem:$0x3F9F] =	sst s1;
	(tag) =	ssettag s2;
	_ =	strace s9  }
0x27: {  	s1 =	sld [smem:$0x3FAF]  }
0x28: {  	s2 =	sld [smem:$0x3FB0]  }
0x29: {  	s4 =	sld [smem:$0x3FB2]  }
0x2a: {  	p0 =	seq.s32 s5, $0x0;
	s5 =	sld [smem:$0x3FB3]  }
0x2b: {  	s6 =	sld [smem:$0x3FB4]  }
0x2c: {  	s7 =	sld [smem:$0x3FB5]  }
0x2d: {  	s3 =	simm.s32 $0x108;
	s8 =	sld [smem:$0x3FB6]  }
0x2e: {  	s3 =	simm.s32 @!p0 $0x1082;
	s9 =	sld [smem:$0x3FB7]  }
0x2f: {  	lr =	sadd.s32 s0, s3;
	s0 =	sld [smem:$0x3FAE]  }
0x30: {  	s3 =	sld [smem:$0x3FB1]  }
0x31: {  	[smem:$0x3FBA] =	sst s10  }
0x32: {  	s10 =	sld [smem:$0x3FB8];
	_ =	sdelay $0x3  }
0x33: {  	p0 =	seq.s32 s10, $0x1;
	s10 =	sld [smem:$0x3FBA];
	_ =	sdelay $0x3  }
0x34: {  	[smem:$0x3FBA] =	sst s10  }
0x35: {  	s10 =	sld [smem:$0x3FB9];
	_ =	sdelay $0x3  }
0x36: {  	p1 =	seq.s32 s10, $0x1;
	s10 =	sld [smem:$0x3FBA];
	_ =	sdelay $0x3  }
0x37: {  	[smem:$0x3FBA] =	sst s10  }
0x38: {  	s10 =	sld [smem:$0x3FBB]  }
0x39: {  	_ = 	snop;
	(pc) =	sbr.ind lr, $3  }
0x3a: {  	_ = 	snop  }
0x3b: {  	_ = 	snop  }
0x3c: {  	p2 =	seq.s32 s10, $0x1;
	s10 =	sld [smem:$0x3FBA]  }
0x3d: {  	_ =	shalt  }
0x3e: {  	_ =	shalt  }
0x3f: {  	_ =	shalt  }
0x40: {  	_ =	shalt  }
0x41: {  	_ =	shalt  }
0x42: {  	_ =	shalt  }
0x43: {  	_ =	shalt  }
0x44: {  	_ =	shalt  }
0x45: {  	_ =	shalt  }
0x46: {  	_ =	shalt  }
0x47: {  	_ =	shalt  }
0x48: {  	_ =	shalt  }
0x49: {  	_ =	shalt  }
0x4a: {  	_ =	shalt  }
0x4b: {  	_ =	shalt  }
0x4c: {  	_ =	shalt  }
0x4d: {  	_ =	shalt  }
0x4e: {  	_ =	shalt  }
0x4f: {  	_ =	shalt  }
0x50: {  	_ =	shalt  }
0x51: {  	_ =	shalt  }
0x52: {  	_ =	shalt  }
0x53: {  	_ =	shalt  }
0x54: {  	_ =	shalt  }
0x55: {  	_ =	shalt  }
0x56: {  	_ =	shalt  }
0x57: {  	_ =	shalt  }
0x58: {  	_ =	shalt  }
0x59: {  	_ =	shalt  }
0x5a: {  	_ =	shalt  }
0x5b: {  	_ =	shalt  }
0x5c: {  	_ =	shalt  }
0x5d: {  	_ =	shalt  }
0x5e: {  	_ =	shalt  }
0x5f: {  	_ =	shalt  }
0x60: {  	_ =	shalt  }
0x61: {  	_ =	shalt  }
0x62: {  	_ =	shalt  }
0x63: {  	_ =	shalt  }
0x64: {  	_ =	shalt  }
0x65: {  	_ =	shalt  }
0x66: {  	_ =	shalt  }
0x67: {  	_ =	shalt  }
0x68: {  	_ =	shalt  }
0x69: {  	_ =	shalt  }
0x6a: {  	_ =	shalt  }
0x6b: {  	_ =	shalt  }
0x6c: {  	_ =	shalt  }
0x6d: {  	_ =	shalt  }
0x6e: {  	_ =	shalt  }
0x6f: {  	_ =	shalt  }
0x70: {  	_ =	shalt  }
0x71: {  	_ =	shalt  }
0x72: {  	_ =	shalt  }
0x73: {  	_ =	shalt  }
0x74: {  	_ =	shalt  }
0x75: {  	_ =	shalt  }
0x76: {  	_ =	shalt  }
0x77: {  	_ =	shalt  }
0x78: {  	_ =	shalt  }
0x79: {  	_ =	shalt  }
0x7a: {  	_ =	shalt  }
0x7b: {  	_ =	shalt  }
0x7c: {  	_ =	shalt  }
0x7d: {  	_ =	shalt  }
0x7e: {  	_ =	shalt  }
0x7f: {  	_ =	shalt  }
0x80: {  	_ =	shalt  }
0x81: {  	_ =	shalt  }
0x82: {  	_ =	shalt  }
0x83: {  	_ =	shalt  }
0x84: {  	_ =	shalt  }
0x85: {  	_ =	shalt  }
0x86: {  	_ =	shalt  }
0x87: {  	_ =	shalt  }
.Lfunc_end0:
.L_simem_size_0:
called_computation.1_lowered:
.L_overlay_start_0:
0x88: {  	s2 =	sld [smem:$0x3FD9]  }
0x89: {  	s3 =	sld [smem:$0x3FFE];
	_ =	sdelay $0x1  }
0x8a: {  	s1 =	srdreg.scid  }
0x8b: {  	s0 =	sand.u32 $0x1, s1  }
0x8c: {  	s15 =	sshll.u32 s0, $0xA;
	s2 =	sadd.s32 s3, s2  }
0x8d: {  	s2 =	sadd.s32 s2, s15  }
0x8e: {  	[smem:$0x3FC6] =	sst s2  }
0x8f: {  	_ = 	snop  }
0x90: {  	s2 =	sld [smem:$0x3FD0];
	_ =	sdelay $0x2  }
0x91: {  	s16 =	simm.s32 $0xB;
	s4 =	simm.s32 $0x10  }
0x92: {  	[smem:s4], [sflag:s16] =	dma.local [hbm:s2], $0x1  }
0x93: {  	_ =	swait.eq [sflag:s16], $0x1  }
0x94: {  	[sflag:s16] =	ssyncset.done $0x0  }
0x95: {  	[sflag:s16] =	ssyncadd.s32 $0xFFFFFFFF  }
0x96: {  	s17 =	sld [smem:$0x12];
	(tm) =	ssettm $0x1  }
0x97: {  	s18 =	sld [smem:$0x3FFB];
	_ =	sdelay $0x3  }
0x98: {  	_ =	strace s18  }
0x99: {  	s2 =	sld [smem:$0x3FFC];
	_ =	sdelay $0x3  }
0x9a: {  	_ =	strace s2  }
0x9b: {  	s2 =	sld [smem:$0x3FFD];
	_ =	sdelay $0x3  }
0x9c: {  	_ =	strace s2  }
0x9d: {  	_ =	strace $0x8FFFFFFF  }
0x9e: {  	s19 =	sld [smem:$0x3FDB];
	_ =	sdelay $0x1  }
0x9f: {  	s20 =	simm.s32 $_scs_section_size  }
0xa0: {  	s5 =	simm.s32 $_size__tile_overlayer_lowered;
	s6 =	simm.s32 $_tile_overlayer_lowered  }
0xa1: {  	s7 =	simm.s32 $0x1BFF;
	s21 =	sshll.u32 s6, $0x1;
	s4 =	sadd.s32 s20, s19  }
0xa2: {  	s22 =	simm.s32 $0x0;
	s5 =	sshll.u32 s5, $0x1;
	s6 =	sadd.s32 s21, s4  }
0xa3: {  	[timem:s22], [sflag:s7] =	dma.local [hbm:s6], s5  }
0xa4: {  	_ =	swait.ge [sflag:s7], s5  }
0xa5: {  	s5 =	ssub.s32 $0x0, s5;
	[sflag:s7] =	ssyncset.done $0x0  }
0xa6: {  	[sflag:s7] =	ssyncadd.s32 s5;
	_ =	sdelay $0x1  }
0xa7: {  	s23 =	simm.s32 $0x1B8B  }
0xa8: {  	_ =	swait.ge [sflag:s23], $0x1  }
0xa9: {  	[sflag:s23] =	ssyncset.done $0x0  }
0xaa: {  	[sflag:s23] =	ssyncadd.s32 $0xFFFFFFFF  }
0xab: {  	s5 =	sld [smem:$0x0]  }
0xac: {  	s6 =	sand.u32 $0xFFFFFFFE, s1  }
0xad: {  	p0 =	sne.s32 s1, s6  }
0xae: {  	s6 =	sshll.u32 @p0 s6, $0xE  }
0xaf: {  	s6 =	sadd.s32 @p0 $0x11B8D, s6;
	s7 =	sshll.u32 @p0 s5, $0x11  }
0xb0: {  	s6 =	sor.u32 @p0 s7, s6  }
0xb1: {  	[sflag:s6] =	ssyncadd.remote.s32 @p0 $0x1;
	_ =	sdelay $0x1  }
0xb2: {  	s6 =	simm.s32 @p0 $0x1B8D  }
0xb3: {  	_ =	swait.eq @p0 [sflag:s6], $0x1  }
0xb4: {  	[sflag:s6] =	ssyncadd.s32 @p0 $0xFFFFFFFF  }
0xb5: {  	s7 =	sshll.u32 @!p0 s1, $0xE  }
0xb6: {  	s7 =	sor.u32 @!p0 $0x4000, s7;
	s6 =	simm.s32 @!p0 $0x1B8D  }
0xb7: {  	s5 =	sshll.u32 @!p0 s5, $0x11;
	s7 =	sadd.s32 @!p0 $0x11B8D, s7;
	_ =	swait.eq @!p0 [sflag:s6], $0x1  }
0xb8: {  	s5 =	sor.u32 @!p0 s5, s7;
	[sflag:s6] =	ssyncadd.s32 @!p0 $0xFFFFFFFF  }
0xb9: {  	s25 =	simm.s32 $0x1B8E;
	s24 =	sld [smem:$0x3FFE];
	[sflag:s5] =	ssyncadd.remote.s32 @!p0 $0x1  }
0xba: {  	s26 =	simm.s32 $execute0_lowered;
	[smem:$0x3FD2] =	sst s25  }
0xbb: {  	s6 =	sshll.u32 s26, $0x1;
	_ =	strace $0x80000049;
	[dreg:$0x1] =	wrdreg $0xFFFFFFFF  }
0xbc: {  	s28 =	simm.s32 $_size_execute0_lowered;
	s4 =	sadd.s32 s4, s6;
	[dreg:$0x0] =	wrdreg $0x0  }
0xbd: {  	s6 =	sshll.u32 s28, $0x1;
	[dreg:$0x2] =	wrdreg s4  }
0xbe: {  	[dreg:$0x3] =	wrdreg s6  }
0xbf: {  	[dreg:$0x4] =	wrdreg $0xC0  }
0xc0: {  	_ =	task [dreg:s22], $0x5FFFF  }
0xc1: {  	[dreg:$0x1] =	wrdreg $0xFFFFFFFF  }
0xc2: {  	[dreg:$0x0] =	wrdreg $0x60  }
0xc3: {  	[dreg:$0x2] =	wrdreg s24  }
0xc4: {  	[dreg:$0x3] =	wrdreg s17  }
0xc5: {  	[dreg:$0x4] =	wrdreg $0x9  }
0xc6: {  	_ =	task.clear_ibuf [dreg:s22], $0x5FFFF;
	_ =	strace $0x90000049  }
0xc7: {  	s29 =	simm.s32 $0x9;
	_ =	strace $0x8000004B  }
0xc8: {  	_ =	swait.ge [sflag:s29], $0x1  }
0xc9: {  	[sflag:s29] =	ssyncadd.s32 $0xFFFFFFFF  }
0xca: {  	_ =	strace $0x9000004B  }
0xcb: {  	_ =	sfence  }
0xcc: {  	s30 =	sld [smem:$0x0];
	_ =	sdelay $0x2  }
0xcd: {  	s31 =	sshll.u32 s1, $0xD;
	s1 =	sshrl.u32 s1, $0x2  }
0xce: {  	s4 =	sand.u32 $0x4000, s31;
	s1 =	sadd.s32 s1, s30  }
0xcf: {  	s0 =	sor.u32 s4, s0;
	s1 =	sshll.u32 s1, $0x11  }
0xd0: {  	s0 =	sor.u32 s1, s0  }
0xd1: {  	s0 =	sadd.s32 $0x8F2B, s0  }
0xd2: {  	[sflag:s0] =	ssyncadd.remote.s32 $0x1  }
0xd3: {  	_ =	sfence.sel $0xFFFF  }
0xd4: {  	[dreg:$0x0] =	wrdreg $0xFFFFFFFF;
	(pc) =	sbr.abs _section_cstart, $3  }
0xd5: {  	[dreg:$0x1] =	wrdreg $0xFFFFFFFF  }
0xd6: {  	_ =	task.clear_ibuf [dreg:s22], $0x2FFFF;
	_ =	strace $0x9FFFFFFF  }
0xd7: {  	(tm) =	ssettm $0x7FFFFFFF  }
tec
execute0_lowered:
.L_overlay_start_1:
0x0: {  	(tag) =	ssettag $0x1  }
0x1: {  	s10 =	rddreg [dreg:$0x0]  }
0x2: {  	s1 =	srdreg.scid;
	s0 =	stileid.u32  }
0x3: {  	s3 =	rddreg [dreg:$0x1];
	s11 =	sand.u32 $0x1, s1;
	s4 =	sshll.u32 s0, $0x1  }
0x4: {  	s2 =	simm.s32 $0x0;
	s1 =	rddreg [dreg:$0x2];
	s12 =	sor.u32 s11, s4  }
0x5: {  	[smem:$0x7FF] =	sst s2;
	s4 =	sshll.u32 s12, $0x5  }
0x6: {  	_ =	strace $0x8000004A;
	s4 =	sadd.s32 s3, s4;
	s3 =	simm.s32 $0x2  }
0x7: {  	[tilespmem:s2], [sflag:$0x2] =	stream.linear.gather [hbm4b:s4+s2], $0x100, $0x38;
	[tilespmem:$0x8100] =	vst v63  }
0x8: {  	_ =	swait.ge [sflag:s3], $0x100  }
0x9: {  	s6 =	simm.s32 $0x80;
	[sflag:s3] =	ssyncset.done $0x0  }
0xa: {  	s7 =	simm.s32 $0x100;
	s5 =	sadd.s32 $0x2800, s10;
	[sflag:s3] =	ssyncadd.s32 $0xFFFFFF00  }
0xb: {  	[tilespmem:s7], [sflag:$0x1] =	stream.indirect.gather [hbm4b:s5+s6], $0x80, s2, s6, $0xb8;
	[tilespmem:$0x8100] =	vst v63  }
0xc: {  	s8 =	simm.s32 $0x4100;
	s9 =	simm.s32 $0x1;
	s11 =	ssub.s32 $0x2, s11  }
0xd: {  	[tilespmem:s8], [sflag:$0x1] =	stream.indirect.gather [hbm4b:s5+s6], $0x80, s6, s6, $0xb8;
	[tilespmem:$0x8100] =	vst v63  }
0xe: {  	s13 =	sshrl.u32 s11, $0x1;
	_ =	swait.ge [sflag:s9], $0x4000  }
0xf: {  	s11 =	ssub.s32 s11, s13;
	[sflag:s9] =	ssyncset.done $0x0  }
0x10: {  	s11 =	smax.u32 s11, $0x1;
	[sflag:s9] =	ssyncadd.s32 $0xFFFFC000  }
0x11: {  	s12 =	sshll.u32 s12, $0xC;
	p0 =	sne.s32 s11, $0x1;
	_ =	swait.ge [sflag:s9], $0x4000  }
.Ltmp0:
0x12: {  	s10 =	sadd.s32 s12, s10;
	[sflag:s9] =	ssyncset.done $0x0;
	(pc) =	sbr.rel @!p0 .LBB2_2-.Ltmp0, $4  }
0x13: {  	s10 =	sadd.s32 $0x6E00, s10;
	[sflag:s9] =	ssyncadd.s32 $0xFFFFC000  }
0x14: {  	[hbm4b:s10+s2] =	stream.linear.scatter [tilespmem:s7], [sflag:$0x2], $0x8000, $0x38;
	[tilespmem:$0x8100] =	vst v63  }
0x15: {  	_ =	swait.ge [sflag:s3], $0x8000  }
0x16: {  	s11 =	sadd.s32 $0xFFFFFFFF, s11;
	[sflag:s3] =	ssyncset.done $0x0  }
.LBB2_1:
0x17: {  	p0 =	sne.s32 s11, $0x1;
	s11 =	sadd.s32 $0xFFFFFFFF, s11;
	[sflag:s3] =	ssyncadd.s32 $0xFFFF8000  }
0x18: {  	[tilespmem:s2], [sflag:$0x2] =	stream.linear.gather [hbm4b:s4+s2], $0x100, $0x38;
	[tilespmem:$0x8100] =	vst v63  }
0x19: {  	_ =	swait.ge [sflag:s3], $0x100  }
0x1a: {  	[sflag:s3] =	ssyncset.done $0x0  }
0x1b: {  	[sflag:s3] =	ssyncadd.s32 $0xFFFFFF00  }
0x1c: {  	[tilespmem:s7], [sflag:$0x1] =	stream.indirect.gather [hbm4b:s5+s6], $0x80, s2, s6, $0xb8;
	[tilespmem:$0x8100] =	vst v63  }
0x1d: {  	_ = 	snop  }
0x1e: {  	[tilespmem:s8], [sflag:$0x1] =	stream.indirect.gather [hbm4b:s5+s6], $0x80, s6, s6, $0xb8;
	[tilespmem:$0x8100] =	vst v63  }
0x1f: {  	_ =	swait.ge [sflag:s9], $0x4000  }
0x20: {  	[sflag:s9] =	ssyncset.done $0x0  }
0x21: {  	[sflag:s9] =	ssyncadd.s32 $0xFFFFC000  }
0x22: {  	_ =	swait.ge [sflag:s9], $0x4000  }
.Ltmp1:
0x23: {  	[sflag:s9] =	ssyncset.done $0x0;
	(pc) =	sbr.rel @p0 .LBB2_1-.Ltmp1, $4  }
0x24: {  	[sflag:s9] =	ssyncadd.s32 $0xFFFFC000  }
0x25: {  	[hbm4b:s10+s2] =	stream.linear.scatter [tilespmem:s7], [sflag:$0x2], $0x8000, $0x38;
	[tilespmem:$0x8100] =	vst v63  }
0x26: {  	_ =	swait.ge [sflag:s3], $0x8000  }
0x27: {  	[sflag:s3] =	ssyncset.done $0x0  }
.LBB2_2:
0x28: {  	[sflag:s3] =	ssyncadd.s32 $0xFFFF8000  }
0x29: {  	_ =	sfence.sel $0x180000  }
0x2a: {  	[bflag:$0x0] =	sbarrier.arrive $0xFFFF  }
0x2b: {  	p0 =	sne.s32 s0, $0x0;
	_ =	strace $0x9000004A  }
0x2c: {  	s0 =	sadd.s32 @!p0 $0x100000, s1;
	[bflag:$0x2] =	sbarrier.arrive $0xFFFF  }
0x2d: {  	[sflag:s0] =	ssyncadd.tile.s32 @!p0 $0x1;
	_ =	shalt  }
.Lfunc_end2:
_tile_overlayer_lowered:
.L_overlay_start_2:
0x2e: {  	(tag) =	ssettag $0x2  }
0x2f: {  	s0 =	rddreg [dreg:$0x0];
	s2 =	stileid.u32  }
0x30: {  	s1 =	rddreg [dreg:$0x1];
	p0 =	sne.s32 s2, $0x0  }
0x31: {  	s3 =	rddreg [dreg:$0x2];
	[bflag:$0x3] =	sbarrier.arrive $0xFFFF;
	s2 =	simm.s32 @!p0 $0x1C02  }
0x32: {  	[timem:s3], [sflag:s2] =	dma.local @!p0 [hbm:s0], s1  }
0x33: {  	s0 =	simm.s32 @!p0 $0x2  }
0x34: {  	_ =	swait.ge @!p0 [sflag:s0], s1  }
0x35: {  	s1 =	ssub.s32 @!p0 $0x0, s1;
	[sflag:s0] =	ssyncset.done @!p0 $0x0  }
0x36: {  	[sflag:s0] =	ssyncadd.s32 @!p0 s1  }
0x37: {  	[bflag:$0x3] =	sbarrier.arrive $0xFFFF  }
0x38: {  	_ =	shalt  }

// kernel: kernel.18.cloned.1.call-start
scs
__scs_entry_jumppad:
0x0: {  	(pc) =	sbr.rel $0x88, $3  }
0x1: {  	(tag) =	ssettag $0x0;
	lr =	simm.s32 $0x1  }
0x2: {  	[smem:$0x3F9F] =	sst lr;
	_ =	strace $0xD0000000  }
0x3: {  	_ = 	snop  }
0x4: {  	_ = 	snop  }
0x5: {  	_ = 	snop  }
0x6: {  	_ = 	snop  }
0x7: {  	_ = 	snop  }
__scs_overlays_trampoline_lowered:
0x8: {  	[smem:$0x3FAE] =	sst s0  }
0x9: {  	[smem:$0x3FAF] =	sst s1  }
0xa: {  	[smem:$0x3FB0] =	sst s2  }
0xb: {  	[smem:$0x3FB1] =	sst s3  }
0xc: {  	[smem:$0x3FB2] =	sst s4  }
0xd: {  	[smem:$0x3FB3] =	sst s5  }
0xe: {  	[smem:$0x3FB4] =	sst s6  }
0xf: {  	[smem:$0x3FB5] =	sst s7  }
0x10: {  	[smem:$0x3FB6] =	sst s8  }
0x11: {  	[smem:$0x3FB7] =	sst s9;
	s0 =	simm.s32 @!p0 $0x0  }
0x12: {  	s1 =	sld [smem:$0x3F9D];
	s0 =	simm.s32 @p0 $0x1  }
0x13: {  	[smem:$0x3FB8] =	sst s0;
	s0 =	simm.s32 @!p1 $0x0  }
0x14: {  	s2 =	sld [smem:$0x3F9C];
	s0 =	simm.s32 @p1 $0x1  }
0x15: {  	[smem:$0x3FB9] =	sst s0;
	s0 =	simm.s32 @!p2 $0x0  }
0x16: {  	s3 =	sld [smem:$0x3FDB];
	s0 =	simm.s32 @p2 $0x1  }
0x17: {  	s4 =	simm.s32 $0x1BF5;
	[smem:$0x3FBB] =	sst s0  }
0x18: {  	s0 =	sld [smem:$0x3F9E];
	_ =	swait.ge [sflag:s4], $0x0  }
0x19: {  	s7 =	sld [smem:$0x3F9F]  }
0x1a: {  	s8 =	sadd.s32 $0xFFFFE003, lr  }
0x1b: {  	s9 =	sadd.s32 $0xFFFFFEF7, lr;
	s5 =	simm.s32 $0xFFFFFFFF;
	p2 =	slt.u32 s8, $0xFFFFF086  }
0x1c: {  	p1 =	slt.u32 s9, $0xF7A;
	s5 =	simm.s32 @!p2 $0x0  }
0x1d: {  	s5 =	simm.s32 @p1 $0x1;
	p0 =	seq.s32 s7, s2  }
0x1e: {  	s7 =	smul.u32 @!p0 $0xF7A, s2;
	p2 =	seq.s32 @!p0 s5, $0x0  }
0x1f: {  	s9 =	smul.u32 $0xF7A, s1;
	s8 =	simm.s32 @!p0 $0x1BF5;
	p2 =	por !p2, p0  }
0x20: {  	[sflag:s8] =	ssyncset.s32 @!p0 $0xFFFFF086;
	s6 =	sadd.s32 @!p0 s3, s7;
	s7 =	simm.s32 @!p0 $0x108  }
0x21: {  	s3 =	sadd.s32 s3, s9;
	s6 =	sadd.s32 @!p0 $0x88, s6;
	s7 =	simm.s32 @p2 $0x1082  }
0x22: {  	[simem:s7], [sflag:s8] =	dma.local @!p0 [hbm:s6], $0xF7A  }
0x23: {  	s9 =	sor.u32 $0xD0000000, s2;
	s6 =	simm.s32 $0x108;
	_ =	swait.ge @!p0 [sflag:s8], $0x0  }
0x24: {  	s3 =	sadd.s32 $0x88, s3;
	s6 =	simm.s32 @!p1 $0x1082;
	[sflag:s4] =	ssyncset.s32 $0xFFFFF086  }
0x25: {  	[simem:s6], [sflag:s4] =	dma.local [hbm:s3], $0xF7A  }
0x26: {  	[smem:$0x3F9F] =	sst s1;
	(tag) =	ssettag s2;
	_ =	strace s9  }
0x27: {  	s1 =	sld [smem:$0x3FAF]  }
0x28: {  	s2 =	sld [smem:$0x3FB0]  }
0x29: {  	s4 =	sld [smem:$0x3FB2]  }
0x2a: {  	p0 =	seq.s32 s5, $0x0;
	s5 =	sld [smem:$0x3FB3]  }
0x2b: {  	s6 =	sld [smem:$0x3FB4]  }
0x2c: {  	s7 =	sld [smem:$0x3FB5]  }
0x2d: {  	s3 =	simm.s32 $0x108;
	s8 =	sld [smem:$0x3FB6]  }
0x2e: {  	s3 =	simm.s32 @!p0 $0x1082;
	s9 =	sld [smem:$0x3FB7]  }
0x2f: {  	lr =	sadd.s32 s0, s3;
	s0 =	sld [smem:$0x3FAE]  }
0x30: {  	s3 =	sld [smem:$0x3FB1]  }
0x31: {  	[smem:$0x3FBA] =	sst s10  }
0x32: {  	s10 =	sld [smem:$0x3FB8];
	_ =	sdelay $0x3  }
0x33: {  	p0 =	seq.s32 s10, $0x1;
	s10 =	sld [smem:$0x3FBA];
	_ =	sdelay $0x3  }
0x34: {  	[smem:$0x3FBA] =	sst s10  }
0x35: {  	s10 =	sld [smem:$0x3FB9];
	_ =	sdelay $0x3  }
0x36: {  	p1 =	seq.s32 s10, $0x1;
	s10 =	sld [smem:$0x3FBA];
	_ =	sdelay $0x3  }
0x37: {  	[smem:$0x3FBA] =	sst s10  }
0x38: {  	s10 =	sld [smem:$0x3FBB]  }
0x39: {  	_ = 	snop;
	(pc) =	sbr.ind lr, $3  }
0x3a: {  	_ = 	snop  }
0x3b: {  	_ = 	snop  }
0x3c: {  	p2 =	seq.s32 s10, $0x1;
	s10 =	sld [smem:$0x3FBA]  }
0x3d: {  	_ =	shalt  }
0x3e: {  	_ =	shalt  }
0x3f: {  	_ =	shalt  }
0x40: {  	_ =	shalt  }
0x41: {  	_ =	shalt  }
0x42: {  	_ =	shalt  }
0x43: {  	_ =	shalt  }
0x44: {  	_ =	shalt  }
0x45: {  	_ =	shalt  }
0x46: {  	_ =	shalt  }
0x47: {  	_ =	shalt  }
0x48: {  	_ =	shalt  }
0x49: {  	_ =	shalt  }
0x4a: {  	_ =	shalt  }
0x4b: {  	_ =	shalt  }
0x4c: {  	_ =	shalt  }
0x4d: {  	_ =	shalt  }
0x4e: {  	_ =	shalt  }
0x4f: {  	_ =	shalt  }
0x50: {  	_ =	shalt  }
0x51: {  	_ =	shalt  }
0x52: {  	_ =	shalt  }
0x53: {  	_ =	shalt  }
0x54: {  	_ =	shalt  }
0x55: {  	_ =	shalt  }
0x56: {  	_ =	shalt  }
0x57: {  	_ =	shalt  }
0x58: {  	_ =	shalt  }
0x59: {  	_ =	shalt  }
0x5a: {  	_ =	shalt  }
0x5b: {  	_ =	shalt  }
0x5c: {  	_ =	shalt  }
0x5d: {  	_ =	shalt  }
0x5e: {  	_ =	shalt  }
0x5f: {  	_ =	shalt  }
0x60: {  	_ =	shalt  }
0x61: {  	_ =	shalt  }
0x62: {  	_ =	shalt  }
0x63: {  	_ =	shalt  }
0x64: {  	_ =	shalt  }
0x65: {  	_ =	shalt  }
0x66: {  	_ =	shalt  }
0x67: {  	_ =	shalt  }
0x68: {  	_ =	shalt  }
0x69: {  	_ =	shalt  }
0x6a: {  	_ =	shalt  }
0x6b: {  	_ =	shalt  }
0x6c: {  	_ =	shalt  }
0x6d: {  	_ =	shalt  }
0x6e: {  	_ =	shalt  }
0x6f: {  	_ =	shalt  }
0x70: {  	_ =	shalt  }
0x71: {  	_ =	shalt  }
0x72: {  	_ =	shalt  }
0x73: {  	_ =	shalt  }
0x74: {  	_ =	shalt  }
0x75: {  	_ =	shalt  }
0x76: {  	_ =	shalt  }
0x77: {  	_ =	shalt  }
0x78: {  	_ =	shalt  }
0x79: {  	_ =	shalt  }
0x7a: {  	_ =	shalt  }
0x7b: {  	_ =	shalt  }
0x7c: {  	_ =	shalt  }
0x7d: {  	_ =	shalt  }
0x7e: {  	_ =	shalt  }
0x7f: {  	_ =	shalt  }
0x80: {  	_ =	shalt  }
0x81: {  	_ =	shalt  }
0x82: {  	_ =	shalt  }
0x83: {  	_ =	shalt  }
0x84: {  	_ =	shalt  }
0x85: {  	_ =	shalt  }
0x86: {  	_ =	shalt  }
0x87: {  	_ =	shalt  }
.Lfunc_end0:
.L_simem_size_0:
called_computation.2_lowered:
.L_overlay_start_0:
0x88: {  	s2 =	sld [smem:$0x3FD9]  }
0x89: {  	s3 =	sld [smem:$0x3FFE];
	_ =	sdelay $0x1  }
0x8a: {  	s1 =	srdreg.scid  }
0x8b: {  	s0 =	sand.u32 $0x1, s1  }
0x8c: {  	s17 =	sshll.u32 s0, $0xA;
	s2 =	sadd.s32 s3, s2  }
0x8d: {  	s2 =	sadd.s32 s2, s17  }
0x8e: {  	[smem:$0x3FC6] =	sst s2  }
0x8f: {  	_ = 	snop  }
0x90: {  	(tm) =	ssettm $0x1  }
0x91: {  	s18 =	sld [smem:$0x3FFB];
	_ =	sdelay $0x3  }
0x92: {  	_ =	strace s18  }
0x93: {  	s2 =	sld [smem:$0x3FFC];
	_ =	sdelay $0x3  }
0x94: {  	_ =	strace s2  }
0x95: {  	s2 =	sld [smem:$0x3FFD];
	_ =	sdelay $0x3  }
0x96: {  	_ =	strace s2  }
0x97: {  	_ =	strace $0x8FFFFFFF  }
0x98: {  	s19 =	sld [smem:$0x3FDB];
	_ =	sdelay $0x1  }
0x99: {  	s20 =	simm.s32 $_scs_section_size  }
0x9a: {  	s4 =	simm.s32 $_size__tile_overlayer_lowered;
	s5 =	simm.s32 $_tile_overlayer_lowered  }
0x9b: {  	s6 =	simm.s32 $0x1BFF;
	s21 =	sshll.u32 s5, $0x1;
	s3 =	sadd.s32 s20, s19  }
0x9c: {  	s22 =	simm.s32 $0x0;
	s4 =	sshll.u32 s4, $0x1;
	s5 =	sadd.s32 s21, s3  }
0x9d: {  	[timem:s22], [sflag:s6] =	dma.local [hbm:s5], s4  }
0x9e: {  	_ =	swait.ge [sflag:s6], s4  }
0x9f: {  	s4 =	ssub.s32 $0x0, s4;
	[sflag:s6] =	ssyncset.done $0x0  }
0xa0: {  	[sflag:s6] =	ssyncadd.s32 s4;
	_ =	sdelay $0x1  }
0xa1: {  	s23 =	simm.s32 $0x1B8B  }
0xa2: {  	_ =	swait.ge [sflag:s23], $0x1  }
0xa3: {  	[sflag:s23] =	ssyncset.done $0x0  }
0xa4: {  	[sflag:s23] =	ssyncadd.s32 $0xFFFFFFFF  }
0xa5: {  	s4 =	sld [smem:$0x0]  }
0xa6: {  	s5 =	sand.u32 $0xFFFFFFFE, s1  }
0xa7: {  	p0 =	sne.s32 s1, s5  }
0xa8: {  	s5 =	sshll.u32 @p0 s5, $0xE  }
0xa9: {  	s5 =	sadd.s32 @p0 $0x11B8D, s5;
	s6 =	sshll.u32 @p0 s4, $0x11  }
0xaa: {  	s5 =	sor.u32 @p0 s6, s5  }
0xab: {  	[sflag:s5] =	ssyncadd.remote.s32 @p0 $0x1;
	_ =	sdelay $0x1  }
0xac: {  	s5 =	simm.s32 @p0 $0x1B8D  }
0xad: {  	_ =	swait.eq @p0 [sflag:s5], $0x1  }
0xae: {  	[sflag:s5] =	ssyncadd.s32 @p0 $0xFFFFFFFF  }
0xaf: {  	s6 =	sshll.u32 @!p0 s1, $0xE  }
0xb0: {  	s6 =	sor.u32 @!p0 $0x4000, s6;
	s5 =	simm.s32 @!p0 $0x1B8D  }
0xb1: {  	s4 =	sshll.u32 @!p0 s4, $0x11;
	s6 =	sadd.s32 @!p0 $0x11B8D, s6;
	_ =	swait.eq @!p0 [sflag:s5], $0x1  }
0xb2: {  	s4 =	sor.u32 @!p0 s4, s6;
	[sflag:s5] =	ssyncadd.s32 @!p0 $0xFFFFFFFF  }
0xb3: {  	s25 =	simm.s32 $0x1B8E;
	s24 =	sld [smem:$0x3FFE];
	[sflag:s4] =	ssyncadd.remote.s32 @!p0 $0x1  }
0xb4: {  	s26 =	simm.s32 $execute0_lowered;
	[smem:$0x3FD2] =	sst s25  }
0xb5: {  	s5 =	sshll.u32 s26, $0x1;
	_ =	strace $0x8000004C;
	[dreg:$0x1] =	wrdreg $0xFFFFFFFF  }
0xb6: {  	s28 =	simm.s32 $_size_execute0_lowered;
	s3 =	sadd.s32 s3, s5;
	[dreg:$0x0] =	wrdreg $0x0  }
0xb7: {  	s5 =	sshll.u32 s28, $0x1;
	[dreg:$0x2] =	wrdreg s3  }
0xb8: {  	[dreg:$0x3] =	wrdreg s5  }
0xb9: {  	[dreg:$0x4] =	wrdreg $0xC0  }
0xba: {  	_ =	task [dreg:s22], $0x5FFFF  }
0xbb: {  	[dreg:$0x1] =	wrdreg $0xFFFFFFFF  }
0xbc: {  	[dreg:$0x0] =	wrdreg $0x60  }
0xbd: {  	[dreg:$0x2] =	wrdreg s24  }
0xbe: {  	[dreg:$0x3] =	wrdreg $0xA  }
0xbf: {  	_ =	task.clear_ibuf [dreg:s22], $0x4FFFF;
	_ =	strace $0x9000004C  }
0xc0: {  	s29 =	simm.s32 $0xA;
	_ =	strace $0x8000004E  }
0xc1: {  	_ =	swait.ge [sflag:s29], $0x1  }
0xc2: {  	[sflag:s29] =	ssyncadd.s32 $0xFFFFFFFF  }
0xc3: {  	_ =	strace $0x9000004E  }
0xc4: {  	_ =	sfence  }
0xc5: {  	s30 =	sld [smem:$0x0];
	_ =	sdelay $0x2  }
0xc6: {  	s31 =	sshll.u32 s1, $0xD;
	s1 =	sshrl.u32 s1, $0x2  }
0xc7: {  	s4 =	sand.u32 $0x4000, s31;
	s1 =	sadd.s32 s1, s30  }
0xc8: {  	s0 =	sor.u32 s4, s0;
	s1 =	sshll.u32 s1, $0x11  }
0xc9: {  	s0 =	sor.u32 s1, s0  }
0xca: {  	s0 =	sadd.s32 $0x8F2B, s0  }
0xcb: {  	[sflag:s0] =	ssyncadd.remote.s32 $0x1  }
0xcc: {  	_ =	sfence.sel $0xFFFF  }
0xcd: {  	[dreg:$0x0] =	wrdreg $0xFFFFFFFF;
	(pc) =	sbr.abs _section_cstart, $3  }
0xce: {  	[dreg:$0x1] =	wrdreg $0xFFFFFFFF  }
0xcf: {  	_ =	task.clear_ibuf [dreg:s22], $0x2FFFF;
	_ =	strace $0x9FFFFFFF  }
0xd0: {  	(tm) =	ssettm $0x7FFFFFFF  }
0xd1: {  	_ =	shalt  }
tec
execute0_lowered:
.L_overlay_start_1:
0x0: {  	(tag) =	ssettag $0x1  }
0x1: {  	s1 =	srdreg.scid;
	s0 =	stileid.u32  }
0x2: {  	s10 =	sand.u32 $0x1, s1;
	s29 =	sshll.u32 s0, $0x1  }
0x3: {  	s11 =	rddreg [dreg:$0x0];
	s12 =	sor.u32 s10, s29  }
0x4: {  	s2 =	simm.s32 $0x0;
	s1 =	rddreg [dreg:$0x1];
	s3 =	sshll.u32 s12, $0x5  }
0x5: {  	[smem:$0x7FF] =	sst s2;
	s3 =	sadd.s32 s3, s11  }
0x6: {  	_ =	strace $0x8000004D;
	s4 =	sadd.s32 $0x27000, s3;
	s3 =	simm.s32 $0x2  }
0x7: {  	[tilespmem:s2], [sflag:$0x2] =	stream.linear.gather [hbm4b:s4+s2], $0x100, $0x38;
	[tilespmem:$0x8100] =	vst v63  }
0x8: {  	_ =	swait.ge [sflag:s3], $0x100  }
0x9: {  	s6 =	simm.s32 $0x80;
	[sflag:s3] =	ssyncset.done $0x0  }
0xa: {  	s7 =	simm.s32 $0x100;
	s5 =	sadd.s32 $0x2800, s11;
	[sflag:s3] =	ssyncadd.s32 $0xFFFFFF00  }
0xb: {  	[tilespmem:s7], [sflag:$0x1] =	stream.indirect.gather [hbm4b:s5+s6], $0x80, s2, s6, $0xb8;
	[tilespmem:$0x8100] =	vst v63  }
0xc: {  	s8 =	simm.s32 $0x4100;
	s9 =	simm.s32 $0x1;
	s10 =	ssub.s32 $0x2, s10  }
0xd: {  	[tilespmem:s8], [sflag:$0x1] =	stream.indirect.gather [hbm4b:s5+s6], $0x80, s6, s6, $0xb8;
	[tilespmem:$0x8100] =	vst v63  }
0xe: {  	s13 =	sshrl.u32 s10, $0x1;
	_ =	swait.ge [sflag:s9], $0x4000  }
0xf: {  	s30 =	ssub.s32 s10, s13;
	[sflag:s9] =	ssyncset.done $0x0  }
0x10: {  	s31 =	smax.u32 s30, $0x1;
	[sflag:s9] =	ssyncadd.s32 $0xFFFFC000  }
0x11: {  	s12 =	sshll.u32 s12, $0xC;
	p0 =	sne.s32 s31, $0x1;
	_ =	swait.ge [sflag:s9], $0x4000  }
.Ltmp0:
0x12: {  	s11 =	sadd.s32 s12, s11;
	[sflag:s9] =	ssyncset.done $0x0;
	(pc) =	sbr.rel @!p0 .LBB2_2-.Ltmp0, $4  }
0x13: {  	s10 =	sadd.s32 $0x27400, s11;
	[sflag:s9] =	ssyncadd.s32 $0xFFFFC000  }
0x14: {  	[hbm4b:s10+s2] =	stream.linear.scatter [tilespmem:s7], [sflag:$0x2], $0x8000, $0x38;
	[tilespmem:$0x8100] =	vst v63  }
0x15: {  	_ =	swait.ge [sflag:s3], $0x8000  }
0x16: {  	s11 =	sadd.s32 $0xFFFFFFFF, s31;
	[sflag:s3] =	ssyncset.done $0x0  }
.LBB2_1:
0x17: {  	p0 =	sne.s32 s11, $0x1;
	s11 =	sadd.s32 $0xFFFFFFFF, s11;
	[sflag:s3] =	ssyncadd.s32 $0xFFFF8000  }
0x18: {  	[tilespmem:s2], [sflag:$0x2] =	stream.linear.gather [hbm4b:s4+s2], $0x100, $0x38;
	[tilespmem:$0x8100] =	vst v63  }
0x19: {  	_ =	swait.ge [sflag:s3], $0x100  }
0x1a: {  	[sflag:s3] =	ssyncset.done $0x0  }
0x1b: {  	[sflag:s3] =	ssyncadd.s32 $0xFFFFFF00  }
0x1c: {  	[tilespmem:s7], [sflag:$0x1] =	stream.indirect.gather [hbm4b:s5+s6], $0x80, s2, s6, $0xb8;
	[tilespmem:$0x8100] =	vst v63  }
0x1d: {  	_ = 	snop  }
0x1e: {  	[tilespmem:s8], [sflag:$0x1] =	stream.indirect.gather [hbm4b:s5+s6], $0x80, s6, s6, $0xb8;
	[tilespmem:$0x8100] =	vst v63  }
0x1f: {  	_ =	swait.ge [sflag:s9], $0x4000  }
0x20: {  	[sflag:s9] =	ssyncset.done $0x0  }
0x21: {  	[sflag:s9] =	ssyncadd.s32 $0xFFFFC000  }
0x22: {  	_ =	swait.ge [sflag:s9], $0x4000  }
.Ltmp1:
0x23: {  	[sflag:s9] =	ssyncset.done $0x0;
	(pc) =	sbr.rel @p0 .LBB2_1-.Ltmp1, $4  }
0x24: {  	[sflag:s9] =	ssyncadd.s32 $0xFFFFC000  }
0x25: {  	[hbm4b:s10+s2] =	stream.linear.scatter [tilespmem:s7], [sflag:$0x2], $0x8000, $0x38;
	[tilespmem:$0x8100] =	vst v63  }
0x26: {  	_ =	swait.ge [sflag:s3], $0x8000  }
0x27: {  	[sflag:s3] =	ssyncset.done $0x0  }
.LBB2_2:
0x28: {  	[sflag:s3] =	ssyncadd.s32 $0xFFFF8000  }
0x29: {  	_ =	sfence.sel $0x180000  }
0x2a: {  	[bflag:$0x0] =	sbarrier.arrive $0xFFFF  }
0x2b: {  	p0 =	sne.s32 s0, $0x0;
	_ =	strace $0x9000004D  }
0x2c: {  	s0 =	sadd.s32 @!p0 $0x100000, s1;
	[bflag:$0x2] =	sbarrier.arrive $0xFFFF  }
0x2d: {  	[sflag:s0] =	ssyncadd.tile.s32 @!p0 $0x1;
	_ =	shalt  }
.Lfunc_end2:
_tile_overlayer_lowered:
.L_overlay_start_2:
0x2e: {  	(tag) =	ssettag $0x2  }
0x2f: {  	s0 =	rddreg [dreg:$0x0];
	s2 =	stileid.u32  }
0x30: {  	s1 =	rddreg [dreg:$0x1];
	p0 =	sne.s32 s2, $0x0  }
0x31: {  	s3 =	rddreg [dreg:$0x2];
	[bflag:$0x3] =	sbarrier.arrive $0xFFFF;
	s2 =	simm.s32 @!p0 $0x1C02  }
0x32: {  	[timem:s3], [sflag:s2] =	dma.local @!p0 [hbm:s0], s1  }
0x33: {  	s0 =	simm.s32 @!p0 $0x2  }
0x34: {  	_ =	swait.ge @!p0 [sflag:s0], s1  }
0x35: {  	s1 =	ssub.s32 @!p0 $0x0, s1;
	[sflag:s0] =	ssyncset.done @!p0 $0x0  }
0x36: {  	[sflag:s0] =	ssyncadd.s32 @!p0 s1  }
0x37: {  	[bflag:$0x3] =	sbarrier.arrive $0xFFFF  }
0x38: {  	_ =	shalt  }

// kernel: kernel.21.cloned.1.call-start
scs
__scs_entry_jumppad:
0x0: {  	(pc) =	sbr.rel $0x88, $3  }
0x1: {  	(tag) =	ssettag $0x0;
	lr =	simm.s32 $0x1  }
0x2: {  	[smem:$0x3F9F] =	sst lr;
	_ =	strace $0xD0000000  }
0x3: {  	_ = 	snop  }
0x4: {  	_ = 	snop  }
0x5: {  	_ = 	snop  }
0x6: {  	_ = 	snop  }
0x7: {  	_ = 	snop  }
__scs_overlays_trampoline_lowered:
0x8: {  	[smem:$0x3FAE] =	sst s0  }
0x9: {  	[smem:$0x3FAF] =	sst s1  }
0xa: {  	[smem:$0x3FB0] =	sst s2  }
0xb: {  	[smem:$0x3FB1] =	sst s3  }
0xc: {  	[smem:$0x3FB2] =	sst s4  }
0xd: {  	[smem:$0x3FB3] =	sst s5  }
0xe: {  	[smem:$0x3FB4] =	sst s6  }
0xf: {  	[smem:$0x3FB5] =	sst s7  }
0x10: {  	[smem:$0x3FB6] =	sst s8  }
0x11: {  	[smem:$0x3FB7] =	sst s9;
	s0 =	simm.s32 @!p0 $0x0  }
0x12: {  	s1 =	sld [smem:$0x3F9D];
	s0 =	simm.s32 @p0 $0x1  }
0x13: {  	[smem:$0x3FB8] =	sst s0;
	s0 =	simm.s32 @!p1 $0x0  }
0x14: {  	s2 =	sld [smem:$0x3F9C];
	s0 =	simm.s32 @p1 $0x1  }
0x15: {  	[smem:$0x3FB9] =	sst s0;
	s0 =	simm.s32 @!p2 $0x0  }
0x16: {  	s3 =	sld [smem:$0x3FDB];
	s0 =	simm.s32 @p2 $0x1  }
0x17: {  	s4 =	simm.s32 $0x1BF5;
	[smem:$0x3FBB] =	sst s0  }
0x18: {  	s0 =	sld [smem:$0x3F9E];
	_ =	swait.ge [sflag:s4], $0x0  }
0x19: {  	s7 =	sld [smem:$0x3F9F]  }
0x1a: {  	s8 =	sadd.s32 $0xFFFFE003, lr  }
0x1b: {  	s9 =	sadd.s32 $0xFFFFFEF7, lr;
	s5 =	simm.s32 $0xFFFFFFFF;
	p2 =	slt.u32 s8, $0xFFFFF086  }
0x1c: {  	p1 =	slt.u32 s9, $0xF7A;
	s5 =	simm.s32 @!p2 $0x0  }
0x1d: {  	s5 =	simm.s32 @p1 $0x1;
	p0 =	seq.s32 s7, s2  }
0x1e: {  	s7 =	smul.u32 @!p0 $0xF7A, s2;
	p2 =	seq.s32 @!p0 s5, $0x0  }
0x1f: {  	s9 =	smul.u32 $0xF7A, s1;
	s8 =	simm.s32 @!p0 $0x1BF5;
	p2 =	por !p2, p0  }
0x20: {  	[sflag:s8] =	ssyncset.s32 @!p0 $0xFFFFF086;
	s6 =	sadd.s32 @!p0 s3, s7;
	s7 =	simm.s32 @!p0 $0x108  }
0x21: {  	s3 =	sadd.s32 s3, s9;
	s6 =	sadd.s32 @!p0 $0x88, s6;
	s7 =	simm.s32 @p2 $0x1082  }
0x22: {  	[simem:s7], [sflag:s8] =	dma.local @!p0 [hbm:s6], $0xF7A  }
0x23: {  	s9 =	sor.u32 $0xD0000000, s2;
	s6 =	simm.s32 $0x108;
	_ =	swait.ge @!p0 [sflag:s8], $0x0  }
0x24: {  	s3 =	sadd.s32 $0x88, s3;
	s6 =	simm.s32 @!p1 $0x1082;
	[sflag:s4] =	ssyncset.s32 $0xFFFFF086  }
0x25: {  	[simem:s6], [sflag:s4] =	dma.local [hbm:s3], $0xF7A  }
0x26: {  	[smem:$0x3F9F] =	sst s1;
	(tag) =	ssettag s2;
	_ =	strace s9  }
0x27: {  	s1 =	sld [smem:$0x3FAF]  }
0x28: {  	s2 =	sld [smem:$0x3FB0]  }
0x29: {  	s4 =	sld [smem:$0x3FB2]  }
0x2a: {  	p0 =	seq.s32 s5, $0x0;
	s5 =	sld [smem:$0x3FB3]  }
0x2b: {  	s6 =	sld [smem:$0x3FB4]  }
0x2c: {  	s7 =	sld [smem:$0x3FB5]  }
0x2d: {  	s3 =	simm.s32 $0x108;
	s8 =	sld [smem:$0x3FB6]  }
0x2e: {  	s3 =	simm.s32 @!p0 $0x1082;
	s9 =	sld [smem:$0x3FB7]  }
0x2f: {  	lr =	sadd.s32 s0, s3;
	s0 =	sld [smem:$0x3FAE]  }
0x30: {  	s3 =	sld [smem:$0x3FB1]  }
0x31: {  	[smem:$0x3FBA] =	sst s10  }
0x32: {  	s10 =	sld [smem:$0x3FB8];
	_ =	sdelay $0x3  }
0x33: {  	p0 =	seq.s32 s10, $0x1;
	s10 =	sld [smem:$0x3FBA];
	_ =	sdelay $0x3  }
0x34: {  	[smem:$0x3FBA] =	sst s10  }
0x35: {  	s10 =	sld [smem:$0x3FB9];
	_ =	sdelay $0x3  }
0x36: {  	p1 =	seq.s32 s10, $0x1;
	s10 =	sld [smem:$0x3FBA];
	_ =	sdelay $0x3  }
0x37: {  	[smem:$0x3FBA] =	sst s10  }
0x38: {  	s10 =	sld [smem:$0x3FBB]  }
0x39: {  	_ = 	snop;
	(pc) =	sbr.ind lr, $3  }
0x3a: {  	_ = 	snop  }
0x3b: {  	_ = 	snop  }
0x3c: {  	p2 =	seq.s32 s10, $0x1;
	s10 =	sld [smem:$0x3FBA]  }
0x3d: {  	_ =	shalt  }
0x3e: {  	_ =	shalt  }
0x3f: {  	_ =	shalt  }
0x40: {  	_ =	shalt  }
0x41: {  	_ =	shalt  }
0x42: {  	_ =	shalt  }
0x43: {  	_ =	shalt  }
0x44: {  	_ =	shalt  }
0x45: {  	_ =	shalt  }
0x46: {  	_ =	shalt  }
0x47: {  	_ =	shalt  }
0x48: {  	_ =	shalt  }
0x49: {  	_ =	shalt  }
0x4a: {  	_ =	shalt  }
0x4b: {  	_ =	shalt  }
0x4c: {  	_ =	shalt  }
0x4d: {  	_ =	shalt  }
0x4e: {  	_ =	shalt  }
0x4f: {  	_ =	shalt  }
0x50: {  	_ =	shalt  }
0x51: {  	_ =	shalt  }
0x52: {  	_ =	shalt  }
0x53: {  	_ =	shalt  }
0x54: {  	_ =	shalt  }
0x55: {  	_ =	shalt  }
0x56: {  	_ =	shalt  }
0x57: {  	_ =	shalt  }
0x58: {  	_ =	shalt  }
0x59: {  	_ =	shalt  }
0x5a: {  	_ =	shalt  }
0x5b: {  	_ =	shalt  }
0x5c: {  	_ =	shalt  }
0x5d: {  	_ =	shalt  }
0x5e: {  	_ =	shalt  }
0x5f: {  	_ =	shalt  }
0x60: {  	_ =	shalt  }
0x61: {  	_ =	shalt  }
0x62: {  	_ =	shalt  }
0x63: {  	_ =	shalt  }
0x64: {  	_ =	shalt  }
0x65: {  	_ =	shalt  }
0x66: {  	_ =	shalt  }
0x67: {  	_ =	shalt  }
0x68: {  	_ =	shalt  }
0x69: {  	_ =	shalt  }
0x6a: {  	_ =	shalt  }
0x6b: {  	_ =	shalt  }
0x6c: {  	_ =	shalt  }
0x6d: {  	_ =	shalt  }
0x6e: {  	_ =	shalt  }
0x6f: {  	_ =	shalt  }
0x70: {  	_ =	shalt  }
0x71: {  	_ =	shalt  }
0x72: {  	_ =	shalt  }
0x73: {  	_ =	shalt  }
0x74: {  	_ =	shalt  }
0x75: {  	_ =	shalt  }
0x76: {  	_ =	shalt  }
0x77: {  	_ =	shalt  }
0x78: {  	_ =	shalt  }
0x79: {  	_ =	shalt  }
0x7a: {  	_ =	shalt  }
0x7b: {  	_ =	shalt  }
0x7c: {  	_ =	shalt  }
0x7d: {  	_ =	shalt  }
0x7e: {  	_ =	shalt  }
0x7f: {  	_ =	shalt  }
0x80: {  	_ =	shalt  }
0x81: {  	_ =	shalt  }
0x82: {  	_ =	shalt  }
0x83: {  	_ =	shalt  }
0x84: {  	_ =	shalt  }
0x85: {  	_ =	shalt  }
0x86: {  	_ =	shalt  }
0x87: {  	_ =	shalt  }
.Lfunc_end0:
.L_simem_size_0:
called_computation.3_lowered:
.L_overlay_start_0:
0x88: {  	s2 =	sld [smem:$0x3FD9]  }
0x89: {  	s3 =	sld [smem:$0x3FFE];
	_ =	sdelay $0x1  }
0x8a: {  	s1 =	srdreg.scid  }
0x8b: {  	s0 =	sand.u32 $0x1, s1  }
0x8c: {  	s17 =	sshll.u32 s0, $0xA;
	s2 =	sadd.s32 s3, s2  }
0x8d: {  	s2 =	sadd.s32 s2, s17  }
0x8e: {  	[smem:$0x3FC6] =	sst s2  }
0x8f: {  	_ = 	snop  }
0x90: {  	(tm) =	ssettm $0x1  }
0x91: {  	s18 =	sld [smem:$0x3FFB];
	_ =	sdelay $0x3  }
0x92: {  	_ =	strace s18  }
0x93: {  	s2 =	sld [smem:$0x3FFC];
	_ =	sdelay $0x3  }
0x94: {  	_ =	strace s2  }
0x95: {  	s2 =	sld [smem:$0x3FFD];
	_ =	sdelay $0x3  }
0x96: {  	_ =	strace s2  }
0x97: {  	_ =	strace $0x8FFFFFFF  }
0x98: {  	s19 =	sld [smem:$0x3FDB];
	_ =	sdelay $0x1  }
0x99: {  	s20 =	simm.s32 $_scs_section_size  }
0x9a: {  	s4 =	simm.s32 $_size__tile_overlayer_lowered;
	s5 =	simm.s32 $_tile_overlayer_lowered  }
0x9b: {  	s6 =	simm.s32 $0x1BFF;
	s21 =	sshll.u32 s5, $0x1;
	s3 =	sadd.s32 s20, s19  }
0x9c: {  	s22 =	simm.s32 $0x0;
	s4 =	sshll.u32 s4, $0x1;
	s5 =	sadd.s32 s21, s3  }
0x9d: {  	[timem:s22], [sflag:s6] =	dma.local [hbm:s5], s4  }
0x9e: {  	_ =	swait.ge [sflag:s6], s4  }
0x9f: {  	s4 =	ssub.s32 $0x0, s4;
	[sflag:s6] =	ssyncset.done $0x0  }
0xa0: {  	[sflag:s6] =	ssyncadd.s32 s4;
	_ =	sdelay $0x1  }
0xa1: {  	s23 =	simm.s32 $0x1B8B  }
0xa2: {  	_ =	swait.ge [sflag:s23], $0x1  }
0xa3: {  	[sflag:s23] =	ssyncset.done $0x0  }
0xa4: {  	[sflag:s23] =	ssyncadd.s32 $0xFFFFFFFF  }
0xa5: {  	s4 =	sld [smem:$0x0]  }
0xa6: {  	s5 =	sand.u32 $0xFFFFFFFE, s1  }
0xa7: {  	p0 =	sne.s32 s1, s5  }
0xa8: {  	s5 =	sshll.u32 @p0 s5, $0xE  }
0xa9: {  	s5 =	sadd.s32 @p0 $0x11B8D, s5;
	s6 =	sshll.u32 @p0 s4, $0x11  }
0xaa: {  	s5 =	sor.u32 @p0 s6, s5  }
0xab: {  	[sflag:s5] =	ssyncadd.remote.s32 @p0 $0x1;
	_ =	sdelay $0x1  }
0xac: {  	s5 =	simm.s32 @p0 $0x1B8D  }
0xad: {  	_ =	swait.eq @p0 [sflag:s5], $0x1  }
0xae: {  	[sflag:s5] =	ssyncadd.s32 @p0 $0xFFFFFFFF  }
0xaf: {  	s6 =	sshll.u32 @!p0 s1, $0xE  }
0xb0: {  	s6 =	sor.u32 @!p0 $0x4000, s6;
	s5 =	simm.s32 @!p0 $0x1B8D  }
0xb1: {  	s4 =	sshll.u32 @!p0 s4, $0x11;
	s6 =	sadd.s32 @!p0 $0x11B8D, s6;
	_ =	swait.eq @!p0 [sflag:s5], $0x1  }
0xb2: {  	s4 =	sor.u32 @!p0 s4, s6;
	[sflag:s5] =	ssyncadd.s32 @!p0 $0xFFFFFFFF  }
0xb3: {  	s25 =	simm.s32 $0x1B8E;
	s24 =	sld [smem:$0x3FFE];
	[sflag:s4] =	ssyncadd.remote.s32 @!p0 $0x1  }
0xb4: {  	s26 =	simm.s32 $execute0_lowered;
	[smem:$0x3FD2] =	sst s25  }
0xb5: {  	s5 =	sshll.u32 s26, $0x1;
	_ =	strace $0x8000004F;
	[dreg:$0x1] =	wrdreg $0xFFFFFFFF  }
0xb6: {  	s28 =	simm.s32 $_size_execute0_lowered;
	s3 =	sadd.s32 s3, s5;
	[dreg:$0x0] =	wrdreg $0x0  }
0xb7: {  	s5 =	sshll.u32 s28, $0x1;
	[dreg:$0x2] =	wrdreg s3  }
0xb8: {  	[dreg:$0x3] =	wrdreg s5  }
0xb9: {  	[dreg:$0x4] =	wrdreg $0xC0  }
0xba: {  	_ =	task [dreg:s22], $0x5FFFF  }
0xbb: {  	[dreg:$0x1] =	wrdreg $0xFFFFFFFF  }
0xbc: {  	[dreg:$0x0] =	wrdreg $0x60  }
0xbd: {  	[dreg:$0x2] =	wrdreg s24  }
0xbe: {  	[dreg:$0x3] =	wrdreg $0x9  }
0xbf: {  	_ =	task.clear_ibuf [dreg:s22], $0x4FFFF;
	_ =	strace $0x9000004F  }
0xc0: {  	s29 =	simm.s32 $0x9;
	_ =	strace $0x80000051  }
0xc1: {  	_ =	swait.ge [sflag:s29], $0x1  }
0xc2: {  	[sflag:s29] =	ssyncadd.s32 $0xFFFFFFFF  }
0xc3: {  	_ =	strace $0x90000051  }
0xc4: {  	_ =	sfence  }
0xc5: {  	s30 =	sld [smem:$0x0];
	_ =	sdelay $0x2  }
0xc6: {  	s31 =	sshll.u32 s1, $0xD;
	s1 =	sshrl.u32 s1, $0x2  }
0xc7: {  	s4 =	sand.u32 $0x4000, s31;
	s1 =	sadd.s32 s1, s30  }
0xc8: {  	s0 =	sor.u32 s4, s0;
	s1 =	sshll.u32 s1, $0x11  }
0xc9: {  	s0 =	sor.u32 s1, s0  }
0xca: {  	s0 =	sadd.s32 $0x8F2B, s0  }
0xcb: {  	[sflag:s0] =	ssyncadd.remote.s32 $0x1  }
0xcc: {  	_ =	sfence.sel $0xFFFF  }
0xcd: {  	[dreg:$0x0] =	wrdreg $0xFFFFFFFF;
	(pc) =	sbr.abs _section_cstart, $3  }
0xce: {  	[dreg:$0x1] =	wrdreg $0xFFFFFFFF  }
0xcf: {  	_ =	task.clear_ibuf [dreg:s22], $0x2FFFF;
	_ =	strace $0x9FFFFFFF  }
0xd0: {  	(tm) =	ssettm $0x7FFFFFFF  }
0xd1: {  	_ =	shalt  }
tec
execute0_lowered:
.L_overlay_start_1:
0x0: {  	(tag) =	ssettag $0x1  }
0x1: {  	s1 =	srdreg.scid;
	s0 =	stileid.u32  }
0x2: {  	s10 =	sand.u32 $0x1, s1;
	s29 =	sshll.u32 s0, $0x1  }
0x3: {  	s11 =	rddreg [dreg:$0x0];
	s12 =	sor.u32 s10, s29  }
0x4: {  	s2 =	simm.s32 $0x0;
	s1 =	rddreg [dreg:$0x1];
	s3 =	sshll.u32 s12, $0x5  }
0x5: {  	[smem:$0x7FF] =	sst s2;
	s3 =	sadd.s32 s3, s11  }
0x6: {  	_ =	strace $0x80000050;
	s4 =	sadd.s32 $0x7000, s3;
	s3 =	simm.s32 $0x2  }
0x7: {  	[tilespmem:s2], [sflag:$0x2] =	stream.linear.gather [hbm4b:s4+s2], $0x100, $0x38;
	[tilespmem:$0x8100] =	vst v63  }
0x8: {  	_ =	swait.ge [sflag:s3], $0x100  }
0x9: {  	s6 =	simm.s32 $0x80;
	[sflag:s3] =	ssyncset.done $0x0  }
0xa: {  	s7 =	simm.s32 $0x100;
	s5 =	sadd.s32 $0x2800, s11;
	[sflag:s3] =	ssyncadd.s32 $0xFFFFFF00  }
0xb: {  	[tilespmem:s7], [sflag:$0x1] =	stream.indirect.gather [hbm4b:s5+s6], $0x80, s2, s6, $0xb8;
	[tilespmem:$0x8100] =	vst v63  }
0xc: {  	s8 =	simm.s32 $0x4100;
	s9 =	simm.s32 $0x1;
	s10 =	ssub.s32 $0x2, s10  }
0xd: {  	[tilespmem:s8], [sflag:$0x1] =	stream.indirect.gather [hbm4b:s5+s6], $0x80, s6, s6, $0xb8;
	[tilespmem:$0x8100] =	vst v63  }
0xe: {  	s13 =	sshrl.u32 s10, $0x1;
	_ =	swait.ge [sflag:s9], $0x4000  }
0xf: {  	s30 =	ssub.s32 s10, s13;
	[sflag:s9] =	ssyncset.done $0x0  }
0x10: {  	s31 =	smax.u32 s30, $0x1;
	[sflag:s9] =	ssyncadd.s32 $0xFFFFC000  }
0x11: {  	s12 =	sshll.u32 s12, $0xC;
	p0 =	sne.s32 s31, $0x1;
	_ =	swait.ge [sflag:s9], $0x4000  }
.Ltmp0:
0x12: {  	s11 =	sadd.s32 s12, s11;
	[sflag:s9] =	ssyncset.done $0x0;
	(pc) =	sbr.rel @!p0 .LBB2_2-.Ltmp0, $4  }
0x13: {  	s10 =	sadd.s32 $0x47400, s11;
	[sflag:s9] =	ssyncadd.s32 $0xFFFFC000  }
0x14: {  	[hbm4b:s10+s2] =	stream.linear.scatter [tilespmem:s7], [sflag:$0x2], $0x8000, $0x38;
	[tilespmem:$0x8100] =	vst v63  }
0x15: {  	_ =	swait.ge [sflag:s3], $0x8000  }
0x16: {  	s11 =	sadd.s32 $0xFFFFFFFF, s31;
	[sflag:s3] =	ssyncset.done $0x0  }
.LBB2_1:
0x17: {  	p0 =	sne.s32 s11, $0x1;
	s11 =	sadd.s32 $0xFFFFFFFF, s11;
	[sflag:s3] =	ssyncadd.s32 $0xFFFF8000  }
0x18: {  	[tilespmem:s2], [sflag:$0x2] =	stream.linear.gather [hbm4b:s4+s2], $0x100, $0x38;
	[tilespmem:$0x8100] =	vst v63  }
0x19: {  	_ =	swait.ge [sflag:s3], $0x100  }
0x1a: {  	[sflag:s3] =	ssyncset.done $0x0  }
0x1b: {  	[sflag:s3] =	ssyncadd.s32 $0xFFFFFF00  }
0x1c: {  	[tilespmem:s7], [sflag:$0x1] =	stream.indirect.gather [hbm4b:s5+s6], $0x80, s2, s6, $0xb8;
	[tilespmem:$0x8100] =	vst v63  }
0x1d: {  	_ = 	snop  }
0x1e: {  	[tilespmem:s8], [sflag:$0x1] =	stream.indirect.gather [hbm4b:s5+s6], $0x80, s6, s6, $0xb8;
	[tilespmem:$0x8100] =	vst v63  }
0x1f: {  	_ =	swait.ge [sflag:s9], $0x4000  }
0x20: {  	[sflag:s9] =	ssyncset.done $0x0  }
0x21: {  	[sflag:s9] =	ssyncadd.s32 $0xFFFFC000  }
0x22: {  	_ =	swait.ge [sflag:s9], $0x4000  }
.Ltmp1:
0x23: {  	[sflag:s9] =	ssyncset.done $0x0;
	(pc) =	sbr.rel @p0 .LBB2_1-.Ltmp1, $4  }
0x24: {  	[sflag:s9] =	ssyncadd.s32 $0xFFFFC000  }
0x25: {  	[hbm4b:s10+s2] =	stream.linear.scatter [tilespmem:s7], [sflag:$0x2], $0x8000, $0x38;
	[tilespmem:$0x8100] =	vst v63  }
0x26: {  	_ =	swait.ge [sflag:s3], $0x8000  }
0x27: {  	[sflag:s3] =	ssyncset.done $0x0  }
.LBB2_2:
0x28: {  	[sflag:s3] =	ssyncadd.s32 $0xFFFF8000  }
0x29: {  	_ =	sfence.sel $0x180000  }
0x2a: {  	[bflag:$0x0] =	sbarrier.arrive $0xFFFF  }
0x2b: {  	p0 =	sne.s32 s0, $0x0;
	_ =	strace $0x90000050  }
0x2c: {  	s0 =	sadd.s32 @!p0 $0x100000, s1;
	[bflag:$0x2] =	sbarrier.arrive $0xFFFF  }
0x2d: {  	[sflag:s0] =	ssyncadd.tile.s32 @!p0 $0x1;
	_ =	shalt  }
.Lfunc_end2:
_tile_overlayer_lowered:
.L_overlay_start_2:
0x2e: {  	(tag) =	ssettag $0x2  }
0x2f: {  	s0 =	rddreg [dreg:$0x0];
	s2 =	stileid.u32  }
0x30: {  	s1 =	rddreg [dreg:$0x1];
	p0 =	sne.s32 s2, $0x0  }
0x31: {  	s3 =	rddreg [dreg:$0x2];
	[bflag:$0x3] =	sbarrier.arrive $0xFFFF;
	s2 =	simm.s32 @!p0 $0x1C02  }
0x32: {  	[timem:s3], [sflag:s2] =	dma.local @!p0 [hbm:s0], s1  }
0x33: {  	s0 =	simm.s32 @!p0 $0x2  }
0x34: {  	_ =	swait.ge @!p0 [sflag:s0], s1  }
0x35: {  	s1 =	ssub.s32 @!p0 $0x0, s1;
	[sflag:s0] =	ssyncset.done @!p0 $0x0  }
0x36: {  	[sflag:s0] =	ssyncadd.s32 @!p0 s1  }
0x37: {  	[bflag:$0x3] =	sbarrier.arrive $0xFFFF  }
0x38: {  	_ =	shalt  }

</sc_bundles>
